<compile_context>
chip_gen: v7x
topology: tpu7x:2x2x1
jax: 0.10.2.dev20260603
libtpu: 0.0.44.dev20260713+nightly
codegen_flags: <defaults>
</compile_context>

<pallas_src>
import functools

import jax
import jax.numpy as jnp
from jax import lax
from jax.experimental import pallas as pl
from jax.experimental.pallas import tpu as pltpu
from jax.experimental.pallas import tpu_sc as plsc

_B = 128
_P = 20000
_RATIO = 3
_S = _P // 32

_NC = 2
_NW = 32
_ROWS_PER_W = _B // _NW
_CH = 2000
_NCHUNK = _P // _CH
_VEC_PER_CH = _CH // 16
_UNROLL = 8

_L1P = (9.099033648762855e-08, 0.9999914490031159, -0.49980109854717764,
        0.33133365864235464, -0.23918972210439943, 0.164781887474398,
        -0.09231230949038821, 0.03441791149657797, -0.006074752450625459)


def _log1p_poly(t):
    acc = jnp.full((16,), _L1P[-1], jnp.float32)
    for c in reversed(_L1P[:-1]):
        acc = acc * t + c
    return acc


def _softplus16(d):
    t = jnp.exp(jnp.minimum(d, -d))
    return jnp.maximum(d, 0.0) + _log1p_poly(t)


def _sc_body(c0_hbm, c1_hbm, lab_hbm, out_hbm,
             c0a, c1a, laba, c0b, c1b, labb, negbuf, outstage, semA, semB):
    wid = lax.axis_index("s") * _NC + lax.axis_index("c")
    iota = lax.broadcasted_iota(jnp.int32, (16,), 0)
    zero = jnp.zeros((16,), jnp.float32)
    izero = jnp.zeros((16,), jnp.int32)

    def dma3(basep, bc0, bc1, bl, sem):
        return (pltpu.make_async_copy(c0_hbm.at[pl.ds(basep, _CH)],
                                      bc0, sem),
                pltpu.make_async_copy(c1_hbm.at[pl.ds(basep, _CH)],
                                      bc1, sem),
                pltpu.make_async_copy(lab_hbm.at[pl.ds(basep, _CH)],
                                      bl, sem))

    def start2(basep, bc0, bc1, bl, sem):
        for cp in dma3(basep, bc0, bc1, bl, sem):
            cp.start()

    def wait2(basep, bc0, bc1, bl, sem):
        for cp in dma3(basep, bc0, bc1, bl, sem):
            cp.wait()

    def compute_chunk(bc0, bc1, bl, carry):

        def body(j, c2):
            s1, s2, s3, npv = c2
            off = j * 16
            c0 = bc0[pl.ds(off, 16)]
            c1 = bc1[pl.ds(off, 16)]
            labs = bl[pl.ds(off, 16)]
            posf = labs.astype(jnp.float32)
            d = c1 - c0
            loss = _softplus16(d)
            return (s1 + loss, s2 + posf * loss, s3 + posf * d,
                    npv + labs)

        return plsc.parallel_loop(0, _VEC_PER_CH, 1, unroll=_UNROLL,
                                  carry=carry)(body)

    def do_row(r, row_carry):
        row = wid * _ROWS_PER_W + r
        rowbase = row * _P
        start2(rowbase, c0a, c1a, laba, semA)

        def do_pair(c, carry):
            baseA = rowbase + (2 * c) * _CH
            baseB = rowbase + (2 * c + 1) * _CH
            start2(baseB, c0b, c1b, labb, semB)
            wait2(baseA, c0a, c1a, laba, semA)
            carry = compute_chunk(c0a, c1a, laba, carry)

            @pl.when(c < _NCHUNK // 2 - 1)
            def _():
                start2(baseA + 2 * _CH, c0a, c1a, laba, semA)

            wait2(baseB, c0b, c1b, labb, semB)
            return compute_chunk(c0b, c1b, labb, carry)

        s1, s2, s3, npv = lax.fori_loop(0, _NCHUNK // 2, do_pair,
                                        (zero, zero, zero, izero))
        np_f = jnp.sum(npv).astype(jnp.float32)
        s1s = jnp.sum(s1)
        s2s = jnp.sum(s2)
        ce_pos = s2s - jnp.sum(s3)
        np_i = np_f.astype(jnp.int32)
        k = _RATIO * jnp.maximum(np_i, 1)
        negc = _P - np_i
        kf = k.astype(jnp.float32)

        def common():
            return s1s - s2s

        def search():
            def fill_chunk(ch, _):
                basep = rowbase + ch * _CH
                pltpu.sync_copy(c0_hbm.at[pl.ds(basep, _CH)], c0a)
                pltpu.sync_copy(c1_hbm.at[pl.ds(basep, _CH)], c1a)
                pltpu.sync_copy(lab_hbm.at[pl.ds(basep, _CH)], laba)

                def fv(j, __):
                    off = j * 16
                    c0 = c0a[pl.ds(off, 16)]
                    c1 = c1a[pl.ds(off, 16)]
                    labs = laba[pl.ds(off, 16)]
                    loss = _softplus16(c1 - c0)
                    negbuf[pl.ds(ch * _CH + off, 16)] = (
                        jnp.where(labs > 0, -1.0, loss))
                    return 0

                return lax.fori_loop(0, _VEC_PER_CH, fv, 0)

            lax.fori_loop(0, _NCHUNK, fill_chunk, 0)

            def bstep(_, c):
                lo, hi = c
                mid = lo + (hi - lo) // 2
                thr = plsc.bitcast(jnp.full((16,), mid, jnp.int32),
                                   jnp.float32)

                def cstep(j, cnt):
                    v = negbuf[pl.ds(j * 16, 16)]
                    return cnt + jnp.where(v >= thr, 1.0, 0.0)

                cnt = jnp.sum(lax.fori_loop(0, _P // 16, cstep, zero))
                take = cnt >= kf
                return (jnp.where(take, mid, lo), jnp.where(take, hi, mid))

            lo, _ = lax.fori_loop(0, 31, bstep,
                                  (jnp.int32(0), jnp.int32(0x7F800000)))
            tv = plsc.bitcast(jnp.full((16,), lo, jnp.int32), jnp.float32)

            def gstep(j, c):
                cnt, sm = c
                v = negbuf[pl.ds(j * 16, 16)]
                gt = v > tv
                return (cnt + jnp.where(gt, 1.0, 0.0),
                        sm + jnp.where(gt, v, 0.0))

            cntv, smv = lax.fori_loop(0, _P // 16, gstep, (zero, zero))
            resid = jnp.full((16,), kf - jnp.sum(cntv)) * tv
            return jnp.sum(smv) + jnp.sum(jnp.where(iota == 0, resid, 0.0))

        top = lax.cond(k < negc, search, common)

        outvec = jnp.where(iota == 0, jnp.full((16,), np_f),
                           jnp.where(iota == 1, jnp.full((16,), ce_pos),
                                     jnp.where(iota == 2,
                                               jnp.full((16,), top), 0.0)))
        outstage[...] = outvec
        pltpu.sync_copy(outstage, out_hbm.at[pl.ds(row * 16, 16)])
        return row_carry

    lax.fori_loop(0, _ROWS_PER_W, do_row, 0)


def _tc_body(labels_ref, loc_ref, loct_ref, o_sl1):
    labels = labels_ref[0]
    loc = loc_ref[0]
    loct = loct_ref[0]

    posf = (labels > 0).astype(jnp.float32)

    dd = loc - loct
    ad = jnp.abs(dd)
    sl1 = jnp.where(ad < 1.0, 0.5 * dd * dd, ad - 0.5)
    lane128 = lax.broadcasted_iota(jnp.int32, (32, 128), 1)
    row32 = lax.broadcasted_iota(jnp.int32, (32, 128), 0)
    rexp = (lane128 // 4 == row32).astype(jnp.float32)
    mask4 = jnp.dot(posf, rexp, preferred_element_type=jnp.float32)
    o_sl1[...] = jnp.sum(mask4 * sl1, axis=0).reshape(1, 1, 128)


def kernel(player_loc, player_conf, player_loc_t, player_conf_t):
    labels = player_conf_t.reshape(_B * _P)
    cc = jnp.moveaxis(player_conf, 2, 0)
    c0f = cc[0].reshape(_B * _P)
    c1f = cc[1].reshape(_B * _P)
    labels_r = player_conf_t.reshape(_B, _S, 32)
    loc_r = player_loc.reshape(_B, _S, 128)
    loct_r = player_loc_t.reshape(_B, _S, 128)

    mesh = plsc.VectorSubcoreMesh(core_axis_name="c", subcore_axis_name="s")
    sc_fn = functools.partial(
        pl.kernel, mesh=mesh,
        compiler_params=pltpu.CompilerParams(needs_layout_passes=False),
        out_type=jax.ShapeDtypeStruct((_B * 16,), jnp.float32),
        scratch_types=[
            pltpu.VMEM((_CH,), jnp.float32),
            pltpu.VMEM((_CH,), jnp.float32),
            pltpu.VMEM((_CH,), jnp.int32),
            pltpu.VMEM((_CH,), jnp.float32),
            pltpu.VMEM((_CH,), jnp.float32),
            pltpu.VMEM((_CH,), jnp.int32),
            pltpu.VMEM((_P,), jnp.float32),
            pltpu.VMEM((16,), jnp.float32),
            pltpu.SemaphoreType.DMA,
            pltpu.SemaphoreType.DMA,
        ],
    )(_sc_body)
    sc_out = sc_fn(c0f, c1f, labels).reshape(_B, 16)

    o_sl1 = pl.pallas_call(
        _tc_body,
        grid=(_B,),
        in_specs=[
            pl.BlockSpec((1, _S, 32), lambda r: (r, 0, 0)),
            pl.BlockSpec((1, _S, 128), lambda r: (r, 0, 0)),
            pl.BlockSpec((1, _S, 128), lambda r: (r, 0, 0)),
        ],
        out_specs=pl.BlockSpec((1, 1, 128), lambda r: (r, 0, 0)),
        out_shape=jax.ShapeDtypeStruct((_B, 1, 128), jnp.float32),
    )(labels_r, loc_r, loct_r)

    num_pos = sc_out[:, 0]
    num_pos_total = jnp.sum(jnp.maximum(num_pos, 1.0))
    loss_c = (jnp.sum(sc_out[:, 1]) + jnp.sum(sc_out[:, 2])) / num_pos_total
    loss_l = jnp.sum(o_sl1[:, 0, :]) / num_pos_total
    return (loss_l, loss_c)

# --- scband reference (transcript-rebuilt; emitter-appended) ---
"""Pipeline reference for scband-ssdloss-31748398252166 (READ-ONLY COPY).

The authoritative reference and input builder live on the scoring server;
editing this copy changes nothing except your own understanding.
"""

import jax, jax.numpy as jnp
import numpy as np

B = 128
P = 20000
NEG_POS_RATIO = 3


def setup_inputs(seed: int = 0) -> dict:
    key = jax.random.key(seed)
    k1, k2, k3, k4 = jax.random.split(key, 4)
    player_loc = jax.random.normal(k1, (B, P, 4), dtype=jnp.float32)
    player_conf = jax.random.normal(k2, (B, P, 2), dtype=jnp.float32)
    player_loc_t = jax.random.normal(k3, (B, P, 4), dtype=jnp.float32)
    player_conf_t = jax.random.randint(k4, (B, P), 0, 2, dtype=jnp.int32)
    return {
        'player_loc': player_loc,
        'player_conf': player_conf,
        'player_loc_t': player_loc_t,
        'player_conf_t': player_conf_t,
    }


def _hard_negative_mining(loss, labels, neg_pos_ratio):
    pos_mask = labels > 0
    num_pos = jnp.sum(pos_mask.astype(jnp.int32), axis=1, keepdims=True)
    num_pos = jnp.where(num_pos == 0, 1, num_pos)
    num_neg = num_pos * neg_pos_ratio
    loss = jnp.where(pos_mask, -jnp.inf, loss)
    # sort descending: argsort of negated loss
    indexes = jnp.argsort(-loss, axis=1)
    orders = jnp.argsort(indexes, axis=1)
    neg_mask = orders < num_neg
    mask = pos_mask | neg_mask
    num_pos_total = jnp.sum(num_pos)
    return mask, num_pos_total


def reference(player_loc, player_conf, player_loc_t, player_conf_t):
    batch_size = player_loc.shape[0]
    loc = player_loc.reshape(batch_size, -1, 4)
    conf = player_conf.reshape(batch_size, -1, 2)
    loc_t = player_loc_t.reshape(batch_size, -1, 4)
    labels = player_conf_t.reshape(batch_size, -1)

    # hard negative mining (torch.no_grad equivalent)
    logp_ng = jax.lax.stop_gradient(jax.nn.log_softmax(conf, axis=2))
    loss_player = -logp_ng[:, :, 0]
    mask_player, num_pos_player = _hard_negative_mining(loss_player, labels, NEG_POS_RATIO)
    num_pos_f = num_pos_player.astype(jnp.float32)

    # classification loss: sum of cross-entropy over selected (pos + hard-neg) priors
    logp = jax.nn.log_softmax(conf, axis=2)
    ce = -jnp.take_along_axis(logp, labels[..., None].astype(jnp.int32), axis=2)[..., 0]
    player_loss_c = jnp.sum(jnp.where(mask_player, ce, 0.0))

    # localization loss: smooth L1 (beta=1) over positive priors
    pos_mask = labels > 0
    d = loc - loc_t
    ad = jnp.abs(d)
    sl1 = jnp.where(ad < 1.0, 0.5 * d * d, ad - 0.5)
    player_loss_l = jnp.sum(jnp.where(pos_mask[..., None], sl1, 0.0))

    return (player_loss_l / num_pos_f, player_loss_c / num_pos_f)

if __name__ == "__main__":
    import jax
    _d = setup_inputs()
    print(jax.jit(kernel)(*tuple(_d.values())))

</pallas_src>

<mosaic_0001>
#map = affine_map<(d0, d1) -> (0)>
module attributes {stable_mosaic.version = 14 : i64} {
  func.func @_sc_body(%arg0: i32, %arg1: i32, %arg2: memref<2560000xf32, #tpu.memory_space<hbm>>, %arg3: memref<2560000xf32, #tpu.memory_space<hbm>>, %arg4: memref<2560000xi32, #tpu.memory_space<hbm>>, %arg5: memref<2048xf32, #tpu.memory_space<hbm>>, %arg6: memref<2000xf32, #tpu.memory_space<vmem>>, %arg7: memref<2000xf32, #tpu.memory_space<vmem>>, %arg8: memref<2000xi32, #tpu.memory_space<vmem>>, %arg9: memref<2000xf32, #tpu.memory_space<vmem>>, %arg10: memref<2000xf32, #tpu.memory_space<vmem>>, %arg11: memref<2000xi32, #tpu.memory_space<vmem>>, %arg12: memref<20000xf32, #tpu.memory_space<vmem>>, %arg13: memref<16xf32, #tpu.memory_space<vmem>>, %arg14: memref<!tpu.dma_semaphore, #tpu.memory_space<semaphore_mem>>, %arg15: memref<!tpu.dma_semaphore, #tpu.memory_space<semaphore_mem>>) attributes {dimension_semantics = [#tpu.dimension_semantics<core_parallel>, #tpu.dimension_semantics<subcore_parallel>], iteration_bounds = array<i64: 2, 16>, scalar_prefetch = 0 : i64, scratch_operands = 10 : i64, tpu.core_type = #tpu.core_type<sc_vector_subcore>, window_params = [{transform_indices = #map}, {transform_indices = #map}, {transform_indices = #map}, {transform_indices = #map}]} {
    %mul3A = arith.constant 2 : i32
    %mul3A_0 = arith.muli %arg1, %mul3A : i32
    %add3A = arith.addi %mul3A_0, %arg0 : i32
    %iota3A = tpu.iota {dimensions = array<i32: 0>} : vector<16xi32>
    %broadcast_in_dim3A = arith.constant 0.000000e+00 : f32
    %broadcast_in_dim3A_1 = vector.broadcast %broadcast_in_dim3A : f32 to vector<16xf32>
    %broadcast_in_dim3A_2 = arith.constant 0 : i32
    %broadcast_in_dim3A_3 = vector.broadcast %broadcast_in_dim3A_2 : i32 to vector<16xi32>
    %scan3A = arith.constant 0 : i32
    %scan3A_4 = arith.constant 0 : i32
    %scan3A_5 = arith.constant 4 : i32
    %scan3A_6 = arith.addi %scan3A_4, %scan3A_5 : i32
    %scan3A_7 = arith.constant 1 : i32
    scf.for %scan3A_9 = %scan3A_4 to %scan3A_6 step %scan3A_7  : i32 {
      %mul3A_10 = arith.constant 4 : i32
      %mul3A_11 = arith.muli %add3A, %mul3A_10 : i32
      %add3A_12 = arith.addi %mul3A_11, %scan3A_9 : i32
      %mul3A_13 = arith.constant 20000 : i32
      %mul3A_14 = arith.muli %add3A_12, %mul3A_13 : i32
      %dma_start3A = tpu.memref_slice %arg2[%mul3A_14] : memref<2560000xf32, #tpu.memory_space<hbm>> -> memref<2000xf32, #tpu.memory_space<hbm>>
      %dma_start3A_15 = tpu.memref_slice %arg2[%mul3A_14] : memref<2560000xf32, #tpu.memory_space<hbm>> -> memref<2000xf32, #tpu.memory_space<hbm>>
      tpu.enqueue_dma source(%dma_start3A_15 : memref<2000xf32, #tpu.memory_space<hbm>>) target(%arg6 : memref<2000xf32, #tpu.memory_space<vmem>>) target_semaphore(%arg14 : memref<!tpu.dma_semaphore, #tpu.memory_space<semaphore_mem>>)
      %dma_start3A_16 = tpu.memref_slice %arg3[%mul3A_14] : memref<2560000xf32, #tpu.memory_space<hbm>> -> memref<2000xf32, #tpu.memory_space<hbm>>
      %dma_start3A_17 = tpu.memref_slice %arg3[%mul3A_14] : memref<2560000xf32, #tpu.memory_space<hbm>> -> memref<2000xf32, #tpu.memory_space<hbm>>
      tpu.enqueue_dma source(%dma_start3A_17 : memref<2000xf32, #tpu.memory_space<hbm>>) target(%arg7 : memref<2000xf32, #tpu.memory_space<vmem>>) target_semaphore(%arg14 : memref<!tpu.dma_semaphore, #tpu.memory_space<semaphore_mem>>)
      %dma_start3A_18 = tpu.memref_slice %arg4[%mul3A_14] : memref<2560000xi32, #tpu.memory_space<hbm>> -> memref<2000xi32, #tpu.memory_space<hbm>>
      %dma_start3A_19 = tpu.memref_slice %arg4[%mul3A_14] : memref<2560000xi32, #tpu.memory_space<hbm>> -> memref<2000xi32, #tpu.memory_space<hbm>>
      tpu.enqueue_dma source(%dma_start3A_19 : memref<2000xi32, #tpu.memory_space<hbm>>) target(%arg8 : memref<2000xi32, #tpu.memory_space<vmem>>) target_semaphore(%arg14 : memref<!tpu.dma_semaphore, #tpu.memory_space<semaphore_mem>>)
      %scan3A_20 = arith.constant 0 : i32
      %scan3A_21 = arith.constant 5 : i32
      %scan3A_22 = arith.addi %scan3A_20, %scan3A_21 : i32
      %scan3A_23 = arith.constant 1 : i32
      %scan3A_24:4 = scf.for %scan3A_68 = %scan3A_20 to %scan3A_22 step %scan3A_23 iter_args(%scan3A_69 = %broadcast_in_dim3A_1, %scan3A_70 = %broadcast_in_dim3A_1, %scan3A_71 = %broadcast_in_dim3A_1, %scan3A_72 = %broadcast_in_dim3A_3) -> (vector<16xf32>, vector<16xf32>, vector<16xf32>, vector<16xi32>)  : i32 {
        %mul3A_73 = arith.constant 2 : i32
        %mul3A_74 = arith.muli %mul3A_73, %scan3A_68 : i32
        %mul3A_75 = arith.constant 2000 : i32
        %mul3A_76 = arith.muli %mul3A_74, %mul3A_75 : i32
        %add3A_77 = arith.addi %mul3A_14, %mul3A_76 : i32
        %mul3A_78 = arith.constant 2 : i32
        %mul3A_79 = arith.muli %mul3A_78, %scan3A_68 : i32
        %add3A_80 = arith.constant 1 : i32
        %add3A_81 = arith.addi %mul3A_79, %add3A_80 : i32
        %mul3A_82 = arith.constant 2000 : i32
        %mul3A_83 = arith.muli %add3A_81, %mul3A_82 : i32
        %add3A_84 = arith.addi %mul3A_14, %mul3A_83 : i32
        %dma_start3A_85 = tpu.memref_slice %arg2[%add3A_84] : memref<2560000xf32, #tpu.memory_space<hbm>> -> memref<2000xf32, #tpu.memory_space<hbm>>
        %dma_start3A_86 = tpu.memref_slice %arg2[%add3A_84] : memref<2560000xf32, #tpu.memory_space<hbm>> -> memref<2000xf32, #tpu.memory_space<hbm>>
        tpu.enqueue_dma source(%dma_start3A_86 : memref<2000xf32, #tpu.memory_space<hbm>>) target(%arg9 : memref<2000xf32, #tpu.memory_space<vmem>>) target_semaphore(%arg15 : memref<!tpu.dma_semaphore, #tpu.memory_space<semaphore_mem>>)
        %dma_start3A_87 = tpu.memref_slice %arg3[%add3A_84] : memref<2560000xf32, #tpu.memory_space<hbm>> -> memref<2000xf32, #tpu.memory_space<hbm>>
        %dma_start3A_88 = tpu.memref_slice %arg3[%add3A_84] : memref<2560000xf32, #tpu.memory_space<hbm>> -> memref<2000xf32, #tpu.memory_space<hbm>>
        tpu.enqueue_dma source(%dma_start3A_88 : memref<2000xf32, #tpu.memory_space<hbm>>) target(%arg10 : memref<2000xf32, #tpu.memory_space<vmem>>) target_semaphore(%arg15 : memref<!tpu.dma_semaphore, #tpu.memory_space<semaphore_mem>>)
        %dma_start3A_89 = tpu.memref_slice %arg4[%add3A_84] : memref<2560000xi32, #tpu.memory_space<hbm>> -> memref<2000xi32, #tpu.memory_space<hbm>>
        %dma_start3A_90 = tpu.memref_slice %arg4[%add3A_84] : memref<2560000xi32, #tpu.memory_space<hbm>> -> memref<2000xi32, #tpu.memory_space<hbm>>
        tpu.enqueue_dma source(%dma_start3A_90 : memref<2000xi32, #tpu.memory_space<hbm>>) target(%arg11 : memref<2000xi32, #tpu.memory_space<vmem>>) target_semaphore(%arg15 : memref<!tpu.dma_semaphore, #tpu.memory_space<semaphore_mem>>)
        %dma_wait3A = tpu.memref_slice %arg2[%add3A_77] : memref<2560000xf32, #tpu.memory_space<hbm>> -> memref<2000xf32, #tpu.memory_space<hbm>>
        %dma_wait3A_91 = tpu.memref_slice %arg2[%add3A_77] : memref<2560000xf32, #tpu.memory_space<hbm>> -> memref<2000xf32, #tpu.memory_space<hbm>>
        tpu.wait_dma2 semaphore(%arg14 : memref<!tpu.dma_semaphore, #tpu.memory_space<semaphore_mem>>) src(%dma_wait3A_91 : memref<2000xf32, #tpu.memory_space<hbm>>) dst(%arg6 : memref<2000xf32, #tpu.memory_space<vmem>>)
        %dma_wait3A_92 = tpu.memref_slice %arg3[%add3A_77] : memref<2560000xf32, #tpu.memory_space<hbm>> -> memref<2000xf32, #tpu.memory_space<hbm>>
        %dma_wait3A_93 = tpu.memref_slice %arg3[%add3A_77] : memref<2560000xf32, #tpu.memory_space<hbm>> -> memref<2000xf32, #tpu.memory_space<hbm>>
        tpu.wait_dma2 semaphore(%arg14 : memref<!tpu.dma_semaphore, #tpu.memory_space<semaphore_mem>>) src(%dma_wait3A_93 : memref<2000xf32, #tpu.memory_space<hbm>>) dst(%arg7 : memref<2000xf32, #tpu.memory_space<vmem>>)
        %dma_wait3A_94 = tpu.memref_slice %arg4[%add3A_77] : memref<2560000xi32, #tpu.memory_space<hbm>> -> memref<2000xi32, #tpu.memory_space<hbm>>
        %dma_wait3A_95 = tpu.memref_slice %arg4[%add3A_77] : memref<2560000xi32, #tpu.memory_space<hbm>> -> memref<2000xi32, #tpu.memory_space<hbm>>
        tpu.wait_dma2 semaphore(%arg14 : memref<!tpu.dma_semaphore, #tpu.memory_space<semaphore_mem>>) src(%dma_wait3A_95 : memref<2000xi32, #tpu.memory_space<hbm>>) dst(%arg8 : memref<2000xi32, #tpu.memory_space<vmem>>)
        %parallel_loop3A = arith.constant 0 : i32
        %parallel_loop3A_96 = arith.constant 125 : i32
        %parallel_loop3A_97 = arith.constant 1 : i32
        %parallel_loop3A_98:4 = scf.for %parallel_loop3A_114 = %parallel_loop3A to %parallel_loop3A_96 step %parallel_loop3A_97 iter_args(%parallel_loop3A_115 = %scan3A_69, %parallel_loop3A_116 = %scan3A_70, %parallel_loop3A_117 = %scan3A_71, %parallel_loop3A_118 = %scan3A_72) -> (vector<16xf32>, vector<16xf32>, vector<16xf32>, vector<16xi32>)  : i32 {
          %parallel_loop3A_119 = arith.constant 16 : i32
          %parallel_loop3A_120 = arith.muli %parallel_loop3A_114, %parallel_loop3A_119 : i32
          %parallel_loop3A_121 = arith.index_cast %parallel_loop3A_120 : i32 to index
          %parallel_loop3A_122 = tpu.vector_load %arg6[%parallel_loop3A_121] {strides = array<i32>} : memref<2000xf32, #tpu.memory_space<vmem>>, vector<16xf32>,
          %parallel_loop3A_123 = arith.index_cast %parallel_loop3A_120 : i32 to index
          %parallel_loop3A_124 = tpu.vector_load %arg7[%parallel_loop3A_123] {strides = array<i32>} : memref<2000xf32, #tpu.memory_space<vmem>>, vector<16xf32>,
          %parallel_loop3A_125 = arith.index_cast %parallel_loop3A_120 : i32 to index
          %parallel_loop3A_126 = tpu.vector_load %arg8[%parallel_loop3A_125] {strides = array<i32>} : memref<2000xi32, #tpu.memory_space<vmem>>, vector<16xi32>,
          %parallel_loop3A_127 = arith.sitofp %parallel_loop3A_126 : vector<16xi32> to vector<16xf32>
          %parallel_loop3A_128 = arith.subf %parallel_loop3A_124, %parallel_loop3A_122 : vector<16xf32>
          %parallel_loop3A_129 = arith.constant 0.000000e+00 : f32
          %parallel_loop3A_130 = vector.broadcast %parallel_loop3A_129 : f32 to vector<16xf32>
          %parallel_loop3A_131 = arith.subf %parallel_loop3A_130, %parallel_loop3A_128 : vector<16xf32>
          %parallel_loop3A_132 = arith.minimumf %parallel_loop3A_128, %parallel_loop3A_131 : vector<16xf32>
          %parallel_loop3A_133 = math.exp %parallel_loop3A_132 : vector<16xf32>
          %parallel_loop3A_134 = arith.constant 0.000000e+00 : f32
          %parallel_loop3A_135 = vector.broadcast %parallel_loop3A_134 : f32 to vector<16xf32>
          %parallel_loop3A_136 = arith.maximumf %parallel_loop3A_128, %parallel_loop3A_135 : vector<16xf32>
          %parallel_loop3A_137 = arith.constant -0.00607475266 : f32
          %parallel_loop3A_138 = vector.broadcast %parallel_loop3A_137 : f32 to vector<16xf32>
          %parallel_loop3A_139 = arith.mulf %parallel_loop3A_138, %parallel_loop3A_133 : vector<16xf32>
          %parallel_loop3A_140 = arith.constant 0.0344179124 : f32
          %parallel_loop3A_141 = vector.broadcast %parallel_loop3A_140 : f32 to vector<16xf32>
          %parallel_loop3A_142 = arith.addf %parallel_loop3A_139, %parallel_loop3A_141 : vector<16xf32>
          %parallel_loop3A_143 = arith.mulf %parallel_loop3A_142, %parallel_loop3A_133 : vector<16xf32>
          %parallel_loop3A_144 = arith.constant -0.0923123061 : f32
          %parallel_loop3A_145 = vector.broadcast %parallel_loop3A_144 : f32 to vector<16xf32>
          %parallel_loop3A_146 = arith.addf %parallel_loop3A_143, %parallel_loop3A_145 : vector<16xf32>
          %parallel_loop3A_147 = arith.mulf %parallel_loop3A_146, %parallel_loop3A_133 : vector<16xf32>
          %parallel_loop3A_148 = arith.constant 0.164781883 : f32
          %parallel_loop3A_149 = vector.broadcast %parallel_loop3A_148 : f32 to vector<16xf32>
          %parallel_loop3A_150 = arith.addf %parallel_loop3A_147, %parallel_loop3A_149 : vector<16xf32>
          %parallel_loop3A_151 = arith.mulf %parallel_loop3A_150, %parallel_loop3A_133 : vector<16xf32>
          %parallel_loop3A_152 = arith.constant -0.239189729 : f32
          %parallel_loop3A_153 = vector.broadcast %parallel_loop3A_152 : f32 to vector<16xf32>
          %parallel_loop3A_154 = arith.addf %parallel_loop3A_151, %parallel_loop3A_153 : vector<16xf32>
          %parallel_loop3A_155 = arith.mulf %parallel_loop3A_154, %parallel_loop3A_133 : vector<16xf32>
          %parallel_loop3A_156 = arith.constant 0.331333667 : f32
          %parallel_loop3A_157 = vector.broadcast %parallel_loop3A_156 : f32 to vector<16xf32>
          %parallel_loop3A_158 = arith.addf %parallel_loop3A_155, %parallel_loop3A_157 : vector<16xf32>
          %parallel_loop3A_159 = arith.mulf %parallel_loop3A_158, %parallel_loop3A_133 : vector<16xf32>
          %parallel_loop3A_160 = arith.constant -0.499801099 : f32
          %parallel_loop3A_161 = vector.broadcast %parallel_loop3A_160 : f32 to vector<16xf32>
          %parallel_loop3A_162 = arith.addf %parallel_loop3A_159, %parallel_loop3A_161 : vector<16xf32>
          %parallel_loop3A_163 = arith.mulf %parallel_loop3A_162, %parallel_loop3A_133 : vector<16xf32>
          %parallel_loop3A_164 = arith.constant 0.999991476 : f32
          %parallel_loop3A_165 = vector.broadcast %parallel_loop3A_164 : f32 to vector<16xf32>
          %parallel_loop3A_166 = arith.addf %parallel_loop3A_163, %parallel_loop3A_165 : vector<16xf32>
          %parallel_loop3A_167 = arith.mulf %parallel_loop3A_166, %parallel_loop3A_133 : vector<16xf32>
          %parallel_loop3A_168 = arith.constant 9.09903334E-8 : f32
          %parallel_loop3A_169 = vector.broadcast %parallel_loop3A_168 : f32 to vector<16xf32>
          %parallel_loop3A_170 = arith.addf %parallel_loop3A_167, %parallel_loop3A_169 : vector<16xf32>
          %parallel_loop3A_171 = arith.addf %parallel_loop3A_136, %parallel_loop3A_170 : vector<16xf32>
          %parallel_loop3A_172 = arith.addf %parallel_loop3A_115, %parallel_loop3A_171 : vector<16xf32>
          %parallel_loop3A_173 = arith.mulf %parallel_loop3A_127, %parallel_loop3A_171 : vector<16xf32>
          %parallel_loop3A_174 = arith.addf %parallel_loop3A_116, %parallel_loop3A_173 : vector<16xf32>
          %parallel_loop3A_175 = arith.mulf %parallel_loop3A_127, %parallel_loop3A_128 : vector<16xf32>
          %parallel_loop3A_176 = arith.addf %parallel_loop3A_117, %parallel_loop3A_175 : vector<16xf32>
          %parallel_loop3A_177 = arith.addi %parallel_loop3A_118, %parallel_loop3A_126 : vector<16xi32>
          scf.yield %parallel_loop3A_172, %parallel_loop3A_174, %parallel_loop3A_176, %parallel_loop3A_177 : vector<16xf32>, vector<16xf32>, vector<16xf32>, vector<16xi32>
        } {sc.loop_unroll_factor = 8 : i64, sc.parallel_access}
        %lt3A_99 = arith.constant 4 : i32
        %lt3A_100 = arith.cmpi slt, %scan3A_68, %lt3A_99 : i32
        %convert_element_type3A_101 = arith.extui %lt3A_100 : i1 to i32
        %cond3A_102 = arith.constant 0 : i32
        %cond3A_103 = arith.cmpi ne, %convert_element_type3A_101, %cond3A_102 : i32
        scf.if %cond3A_103 {
          %add3A_114 = arith.constant 4000 : i32
          %add3A_115 = arith.addi %add3A_77, %add3A_114 : i32
          %dma_start3A_116 = tpu.memref_slice %arg2[%add3A_115] : memref<2560000xf32, #tpu.memory_space<hbm>> -> memref<2000xf32, #tpu.memory_space<hbm>>
          %dma_start3A_117 = tpu.memref_slice %arg2[%add3A_115] : memref<2560000xf32, #tpu.memory_space<hbm>> -> memref<2000xf32, #tpu.memory_space<hbm>>
          tpu.enqueue_dma source(%dma_start3A_117 : memref<2000xf32, #tpu.memory_space<hbm>>) target(%arg6 : memref<2000xf32, #tpu.memory_space<vmem>>) target_semaphore(%arg14 : memref<!tpu.dma_semaphore, #tpu.memory_space<semaphore_mem>>)
          %dma_start3A_118 = tpu.memref_slice %arg3[%add3A_115] : memref<2560000xf32, #tpu.memory_space<hbm>> -> memref<2000xf32, #tpu.memory_space<hbm>>
          %dma_start3A_119 = tpu.memref_slice %arg3[%add3A_115] : memref<2560000xf32, #tpu.memory_space<hbm>> -> memref<2000xf32, #tpu.memory_space<hbm>>
          tpu.enqueue_dma source(%dma_start3A_119 : memref<2000xf32, #tpu.memory_space<hbm>>) target(%arg7 : memref<2000xf32, #tpu.memory_space<vmem>>) target_semaphore(%arg14 : memref<!tpu.dma_semaphore, #tpu.memory_space<semaphore_mem>>)
          %dma_start3A_120 = tpu.memref_slice %arg4[%add3A_115] : memref<2560000xi32, #tpu.memory_space<hbm>> -> memref<2000xi32, #tpu.memory_space<hbm>>
          %dma_start3A_121 = tpu.memref_slice %arg4[%add3A_115] : memref<2560000xi32, #tpu.memory_space<hbm>> -> memref<2000xi32, #tpu.memory_space<hbm>>
          tpu.enqueue_dma source(%dma_start3A_121 : memref<2000xi32, #tpu.memory_space<hbm>>) target(%arg8 : memref<2000xi32, #tpu.memory_space<vmem>>) target_semaphore(%arg14 : memref<!tpu.dma_semaphore, #tpu.memory_space<semaphore_mem>>)
        } else {
        }
        %dma_wait3A_104 = tpu.memref_slice %arg2[%add3A_84] : memref<2560000xf32, #tpu.memory_space<hbm>> -> memref<2000xf32, #tpu.memory_space<hbm>>
        %dma_wait3A_105 = tpu.memref_slice %arg2[%add3A_84] : memref<2560000xf32, #tpu.memory_space<hbm>> -> memref<2000xf32, #tpu.memory_space<hbm>>
        tpu.wait_dma2 semaphore(%arg15 : memref<!tpu.dma_semaphore, #tpu.memory_space<semaphore_mem>>) src(%dma_wait3A_105 : memref<2000xf32, #tpu.memory_space<hbm>>) dst(%arg9 : memref<2000xf32, #tpu.memory_space<vmem>>)
        %dma_wait3A_106 = tpu.memref_slice %arg3[%add3A_84] : memref<2560000xf32, #tpu.memory_space<hbm>> -> memref<2000xf32, #tpu.memory_space<hbm>>
        %dma_wait3A_107 = tpu.memref_slice %arg3[%add3A_84] : memref<2560000xf32, #tpu.memory_space<hbm>> -> memref<2000xf32, #tpu.memory_space<hbm>>
        tpu.wait_dma2 semaphore(%arg15 : memref<!tpu.dma_semaphore, #tpu.memory_space<semaphore_mem>>) src(%dma_wait3A_107 : memref<2000xf32, #tpu.memory_space<hbm>>) dst(%arg10 : memref<2000xf32, #tpu.memory_space<vmem>>)
        %dma_wait3A_108 = tpu.memref_slice %arg4[%add3A_84] : memref<2560000xi32, #tpu.memory_space<hbm>> -> memref<2000xi32, #tpu.memory_space<hbm>>
        %dma_wait3A_109 = tpu.memref_slice %arg4[%add3A_84] : memref<2560000xi32, #tpu.memory_space<hbm>> -> memref<2000xi32, #tpu.memory_space<hbm>>
        tpu.wait_dma2 semaphore(%arg15 : memref<!tpu.dma_semaphore, #tpu.memory_space<semaphore_mem>>) src(%dma_wait3A_109 : memref<2000xi32, #tpu.memory_space<hbm>>) dst(%arg11 : memref<2000xi32, #tpu.memory_space<vmem>>)
        %parallel_loop3A_110 = arith.constant 0 : i32
        %parallel_loop3A_111 = arith.constant 125 : i32
        %parallel_loop3A_112 = arith.constant 1 : i32
        %parallel_loop3A_113:4 = scf.for %parallel_loop3A_114 = %parallel_loop3A_110 to %parallel_loop3A_111 step %parallel_loop3A_112 iter_args(%parallel_loop3A_115 = %parallel_loop3A_98#0, %parallel_loop3A_116 = %parallel_loop3A_98#1, %parallel_loop3A_117 = %parallel_loop3A_98#2, %parallel_loop3A_118 = %parallel_loop3A_98#3) -> (vector<16xf32>, vector<16xf32>, vector<16xf32>, vector<16xi32>)  : i32 {
          %parallel_loop3A_119 = arith.constant 16 : i32
          %parallel_loop3A_120 = arith.muli %parallel_loop3A_114, %parallel_loop3A_119 : i32
          %parallel_loop3A_121 = arith.index_cast %parallel_loop3A_120 : i32 to index
          %parallel_loop3A_122 = tpu.vector_load %arg9[%parallel_loop3A_121] {strides = array<i32>} : memref<2000xf32, #tpu.memory_space<vmem>>, vector<16xf32>,
          %parallel_loop3A_123 = arith.index_cast %parallel_loop3A_120 : i32 to index
          %parallel_loop3A_124 = tpu.vector_load %arg10[%parallel_loop3A_123] {strides = array<i32>} : memref<2000xf32, #tpu.memory_space<vmem>>, vector<16xf32>,
          %parallel_loop3A_125 = arith.index_cast %parallel_loop3A_120 : i32 to index
          %parallel_loop3A_126 = tpu.vector_load %arg11[%parallel_loop3A_125] {strides = array<i32>} : memref<2000xi32, #tpu.memory_space<vmem>>, vector<16xi32>,
          %parallel_loop3A_127 = arith.sitofp %parallel_loop3A_126 : vector<16xi32> to vector<16xf32>
          %parallel_loop3A_128 = arith.subf %parallel_loop3A_124, %parallel_loop3A_122 : vector<16xf32>
          %parallel_loop3A_129 = arith.constant 0.000000e+00 : f32
          %parallel_loop3A_130 = vector.broadcast %parallel_loop3A_129 : f32 to vector<16xf32>
          %parallel_loop3A_131 = arith.subf %parallel_loop3A_130, %parallel_loop3A_128 : vector<16xf32>
          %parallel_loop3A_132 = arith.minimumf %parallel_loop3A_128, %parallel_loop3A_131 : vector<16xf32>
          %parallel_loop3A_133 = math.exp %parallel_loop3A_132 : vector<16xf32>
          %parallel_loop3A_134 = arith.constant 0.000000e+00 : f32
          %parallel_loop3A_135 = vector.broadcast %parallel_loop3A_134 : f32 to vector<16xf32>
          %parallel_loop3A_136 = arith.maximumf %parallel_loop3A_128, %parallel_loop3A_135 : vector<16xf32>
          %parallel_loop3A_137 = arith.constant -0.00607475266 : f32
          %parallel_loop3A_138 = vector.broadcast %parallel_loop3A_137 : f32 to vector<16xf32>
          %parallel_loop3A_139 = arith.mulf %parallel_loop3A_138, %parallel_loop3A_133 : vector<16xf32>
          %parallel_loop3A_140 = arith.constant 0.0344179124 : f32
          %parallel_loop3A_141 = vector.broadcast %parallel_loop3A_140 : f32 to vector<16xf32>
          %parallel_loop3A_142 = arith.addf %parallel_loop3A_139, %parallel_loop3A_141 : vector<16xf32>
          %parallel_loop3A_143 = arith.mulf %parallel_loop3A_142, %parallel_loop3A_133 : vector<16xf32>
          %parallel_loop3A_144 = arith.constant -0.0923123061 : f32
          %parallel_loop3A_145 = vector.broadcast %parallel_loop3A_144 : f32 to vector<16xf32>
          %parallel_loop3A_146 = arith.addf %parallel_loop3A_143, %parallel_loop3A_145 : vector<16xf32>
          %parallel_loop3A_147 = arith.mulf %parallel_loop3A_146, %parallel_loop3A_133 : vector<16xf32>
          %parallel_loop3A_148 = arith.constant 0.164781883 : f32
          %parallel_loop3A_149 = vector.broadcast %parallel_loop3A_148 : f32 to vector<16xf32>
          %parallel_loop3A_150 = arith.addf %parallel_loop3A_147, %parallel_loop3A_149 : vector<16xf32>
          %parallel_loop3A_151 = arith.mulf %parallel_loop3A_150, %parallel_loop3A_133 : vector<16xf32>
          %parallel_loop3A_152 = arith.constant -0.239189729 : f32
          %parallel_loop3A_153 = vector.broadcast %parallel_loop3A_152 : f32 to vector<16xf32>
          %parallel_loop3A_154 = arith.addf %parallel_loop3A_151, %parallel_loop3A_153 : vector<16xf32>
          %parallel_loop3A_155 = arith.mulf %parallel_loop3A_154, %parallel_loop3A_133 : vector<16xf32>
          %parallel_loop3A_156 = arith.constant 0.331333667 : f32
          %parallel_loop3A_157 = vector.broadcast %parallel_loop3A_156 : f32 to vector<16xf32>
          %parallel_loop3A_158 = arith.addf %parallel_loop3A_155, %parallel_loop3A_157 : vector<16xf32>
          %parallel_loop3A_159 = arith.mulf %parallel_loop3A_158, %parallel_loop3A_133 : vector<16xf32>
          %parallel_loop3A_160 = arith.constant -0.499801099 : f32
          %parallel_loop3A_161 = vector.broadcast %parallel_loop3A_160 : f32 to vector<16xf32>
          %parallel_loop3A_162 = arith.addf %parallel_loop3A_159, %parallel_loop3A_161 : vector<16xf32>
          %parallel_loop3A_163 = arith.mulf %parallel_loop3A_162, %parallel_loop3A_133 : vector<16xf32>
          %parallel_loop3A_164 = arith.constant 0.999991476 : f32
          %parallel_loop3A_165 = vector.broadcast %parallel_loop3A_164 : f32 to vector<16xf32>
          %parallel_loop3A_166 = arith.addf %parallel_loop3A_163, %parallel_loop3A_165 : vector<16xf32>
          %parallel_loop3A_167 = arith.mulf %parallel_loop3A_166, %parallel_loop3A_133 : vector<16xf32>
          %parallel_loop3A_168 = arith.constant 9.09903334E-8 : f32
          %parallel_loop3A_169 = vector.broadcast %parallel_loop3A_168 : f32 to vector<16xf32>
          %parallel_loop3A_170 = arith.addf %parallel_loop3A_167, %parallel_loop3A_169 : vector<16xf32>
          %parallel_loop3A_171 = arith.addf %parallel_loop3A_136, %parallel_loop3A_170 : vector<16xf32>
          %parallel_loop3A_172 = arith.addf %parallel_loop3A_115, %parallel_loop3A_171 : vector<16xf32>
          %parallel_loop3A_173 = arith.mulf %parallel_loop3A_127, %parallel_loop3A_171 : vector<16xf32>
          %parallel_loop3A_174 = arith.addf %parallel_loop3A_116, %parallel_loop3A_173 : vector<16xf32>
          %parallel_loop3A_175 = arith.mulf %parallel_loop3A_127, %parallel_loop3A_128 : vector<16xf32>
          %parallel_loop3A_176 = arith.addf %parallel_loop3A_117, %parallel_loop3A_175 : vector<16xf32>
          %parallel_loop3A_177 = arith.addi %parallel_loop3A_118, %parallel_loop3A_126 : vector<16xi32>
          scf.yield %parallel_loop3A_172, %parallel_loop3A_174, %parallel_loop3A_176, %parallel_loop3A_177 : vector<16xf32>, vector<16xf32>, vector<16xf32>, vector<16xi32>
        } {sc.loop_unroll_factor = 8 : i64, sc.parallel_access}
        scf.yield %parallel_loop3A_113#0, %parallel_loop3A_113#1, %parallel_loop3A_113#2, %parallel_loop3A_113#3 : vector<16xf32>, vector<16xf32>, vector<16xf32>, vector<16xi32>
      }
      %scan3A_25 = arith.constant 5 : i32
      %reduce_sum3A = arith.constant true
      %reduce_sum3A_26 = vector.broadcast %reduce_sum3A : i1 to vector<16xi1>
      %reduce_sum3A_27 = tpu.scan <sum>, %scan3A_24#3 masked %reduce_sum3A_26 : vector<16xi32>, vector<16xi1> -> vector<16xi32>
      %reduce_sum3A_28 = vector.extract %reduce_sum3A_27[15] : i32 from vector<16xi32>
      %convert_element_type3A = arith.sitofp %reduce_sum3A_28 : i32 to f32
      %reduce_sum3A_29 = arith.constant true
      %reduce_sum3A_30 = vector.broadcast %reduce_sum3A_29 : i1 to vector<16xi1>
      %reduce_sum3A_31 = tpu.scan <sum>, %scan3A_24#0 masked %reduce_sum3A_30 : vector<16xf32>, vector<16xi1> -> vector<16xf32>
      %reduce_sum3A_32 = vector.extract %reduce_sum3A_31[15] : f32 from vector<16xf32>
      %reduce_sum3A_33 = arith.constant true
      %reduce_sum3A_34 = vector.broadcast %reduce_sum3A_33 : i1 to vector<16xi1>
      %reduce_sum3A_35 = tpu.scan <sum>, %scan3A_24#1 masked %reduce_sum3A_34 : vector<16xf32>, vector<16xi1> -> vector<16xf32>
      %reduce_sum3A_36 = vector.extract %reduce_sum3A_35[15] : f32 from vector<16xf32>
      %reduce_sum3A_37 = arith.constant true
      %reduce_sum3A_38 = vector.broadcast %reduce_sum3A_37 : i1 to vector<16xi1>
      %reduce_sum3A_39 = tpu.scan <sum>, %scan3A_24#2 masked %reduce_sum3A_38 : vector<16xf32>, vector<16xi1> -> vector<16xf32>
      %reduce_sum3A_40 = vector.extract %reduce_sum3A_39[15] : f32 from vector<16xf32>
      %sub3A = arith.subf %reduce_sum3A_36, %reduce_sum3A_40 : f32
      %convert_element_type3A_41 = arith.fptosi %convert_element_type3A : f32 to i32
      %max3A = arith.constant 1 : i32
      %max3A_42 = arith.maxsi %convert_element_type3A_41, %max3A : i32
      %mul3A_43 = arith.constant 3 : i32
      %mul3A_44 = arith.muli %mul3A_43, %max3A_42 : i32
      %sub3A_45 = arith.constant 20000 : i32
      %sub3A_46 = arith.subi %sub3A_45, %convert_element_type3A_41 : i32
      %convert_element_type3A_47 = arith.sitofp %mul3A_44 : i32 to f32
      %lt3A = arith.cmpi slt, %mul3A_44, %sub3A_46 : i32
      %convert_element_type3A_48 = arith.extui %lt3A : i1 to i32
      %cond3A = arith.constant 0 : i32
      %cond3A_49 = arith.cmpi ne, %convert_element_type3A_48, %cond3A : i32
      %cond3A_50 = scf.if %cond3A_49 -> (f32) {
        %scan3A_68 = arith.constant 0 : i32
        %scan3A_69 = arith.constant 0 : i32
        %scan3A_70 = arith.constant 10 : i32
        %scan3A_71 = arith.addi %scan3A_69, %scan3A_70 : i32
        %scan3A_72 = arith.constant 1 : i32
        %scan3A_73 = scf.for %scan3A_112 = %scan3A_69 to %scan3A_71 step %scan3A_72 iter_args(%scan3A_113 = %scan3A_68) -> (i32)  : i32 {
          %mul3A_114 = arith.constant 2000 : i32
          %mul3A_115 = arith.muli %scan3A_112, %mul3A_114 : i32
          %add3A_116 = arith.addi %mul3A_14, %mul3A_115 : i32
          "tpu.region"() ({
            %run_scoped3A = tpu.sem_alloc : memref<!tpu.dma_semaphore, #tpu.memory_space<semaphore_mem>>
            %dma_start3A_124 = tpu.memref_slice %arg2[%add3A_116] : memref<2560000xf32, #tpu.memory_space<hbm>> -> memref<2000xf32, #tpu.memory_space<hbm>>
            %dma_start3A_125 = tpu.memref_slice %arg2[%add3A_116] : memref<2560000xf32, #tpu.memory_space<hbm>> -> memref<2000xf32, #tpu.memory_space<hbm>>
            tpu.enqueue_dma source(%dma_start3A_125 : memref<2000xf32, #tpu.memory_space<hbm>>) target(%arg6 : memref<2000xf32, #tpu.memory_space<vmem>>) target_semaphore(%run_scoped3A : memref<!tpu.dma_semaphore, #tpu.memory_space<semaphore_mem>>)
            %dma_wait3A = tpu.memref_slice %arg2[%add3A_116] : memref<2560000xf32, #tpu.memory_space<hbm>> -> memref<2000xf32, #tpu.memory_space<hbm>>
            %dma_wait3A_126 = tpu.memref_slice %arg2[%add3A_116] : memref<2560000xf32, #tpu.memory_space<hbm>> -> memref<2000xf32, #tpu.memory_space<hbm>>
            tpu.wait_dma2 semaphore(%run_scoped3A : memref<!tpu.dma_semaphore, #tpu.memory_space<semaphore_mem>>) src(%dma_wait3A_126 : memref<2000xf32, #tpu.memory_space<hbm>>) dst(%arg6 : memref<2000xf32, #tpu.memory_space<vmem>>)
            tpu.yield
          }) : () -> ()
          "tpu.region"() ({
            %run_scoped3A = tpu.sem_alloc : memref<!tpu.dma_semaphore, #tpu.memory_space<semaphore_mem>>
            %dma_start3A_124 = tpu.memref_slice %arg3[%add3A_116] : memref<2560000xf32, #tpu.memory_space<hbm>> -> memref<2000xf32, #tpu.memory_space<hbm>>
            %dma_start3A_125 = tpu.memref_slice %arg3[%add3A_116] : memref<2560000xf32, #tpu.memory_space<hbm>> -> memref<2000xf32, #tpu.memory_space<hbm>>
            tpu.enqueue_dma source(%dma_start3A_125 : memref<2000xf32, #tpu.memory_space<hbm>>) target(%arg7 : memref<2000xf32, #tpu.memory_space<vmem>>) target_semaphore(%run_scoped3A : memref<!tpu.dma_semaphore, #tpu.memory_space<semaphore_mem>>)
            %dma_wait3A = tpu.memref_slice %arg3[%add3A_116] : memref<2560000xf32, #tpu.memory_space<hbm>> -> memref<2000xf32, #tpu.memory_space<hbm>>
            %dma_wait3A_126 = tpu.memref_slice %arg3[%add3A_116] : memref<2560000xf32, #tpu.memory_space<hbm>> -> memref<2000xf32, #tpu.memory_space<hbm>>
            tpu.wait_dma2 semaphore(%run_scoped3A : memref<!tpu.dma_semaphore, #tpu.memory_space<semaphore_mem>>) src(%dma_wait3A_126 : memref<2000xf32, #tpu.memory_space<hbm>>) dst(%arg7 : memref<2000xf32, #tpu.memory_space<vmem>>)
            tpu.yield
          }) : () -> ()
          "tpu.region"() ({
            %run_scoped3A = tpu.sem_alloc : memref<!tpu.dma_semaphore, #tpu.memory_space<semaphore_mem>>
            %dma_start3A_124 = tpu.memref_slice %arg4[%add3A_116] : memref<2560000xi32, #tpu.memory_space<hbm>> -> memref<2000xi32, #tpu.memory_space<hbm>>
            %dma_start3A_125 = tpu.memref_slice %arg4[%add3A_116] : memref<2560000xi32, #tpu.memory_space<hbm>> -> memref<2000xi32, #tpu.memory_space<hbm>>
            tpu.enqueue_dma source(%dma_start3A_125 : memref<2000xi32, #tpu.memory_space<hbm>>) target(%arg8 : memref<2000xi32, #tpu.memory_space<vmem>>) target_semaphore(%run_scoped3A : memref<!tpu.dma_semaphore, #tpu.memory_space<semaphore_mem>>)
            %dma_wait3A = tpu.memref_slice %arg4[%add3A_116] : memref<2560000xi32, #tpu.memory_space<hbm>> -> memref<2000xi32, #tpu.memory_space<hbm>>
            %dma_wait3A_126 = tpu.memref_slice %arg4[%add3A_116] : memref<2560000xi32, #tpu.memory_space<hbm>> -> memref<2000xi32, #tpu.memory_space<hbm>>
            tpu.wait_dma2 semaphore(%run_scoped3A : memref<!tpu.dma_semaphore, #tpu.memory_space<semaphore_mem>>) src(%dma_wait3A_126 : memref<2000xi32, #tpu.memory_space<hbm>>) dst(%arg8 : memref<2000xi32, #tpu.memory_space<vmem>>)
            tpu.yield
          }) : () -> ()
          %scan3A_117 = arith.constant 0 : i32
          %scan3A_118 = arith.constant 0 : i32
          %scan3A_119 = arith.constant 125 : i32
          %scan3A_120 = arith.addi %scan3A_118, %scan3A_119 : i32
          %scan3A_121 = arith.constant 1 : i32
          %scan3A_122 = scf.for %scan3A_124 = %scan3A_118 to %scan3A_120 step %scan3A_121 iter_args(%scan3A_125 = %scan3A_117) -> (i32)  : i32 {
            %mul3A_126 = arith.constant 16 : i32
            %mul3A_127 = arith.muli %scan3A_124, %mul3A_126 : i32
            %get3A = arith.index_cast %mul3A_127 : i32 to index
            %get3A_128 = tpu.vector_load %arg6[%get3A] {strides = array<i32>} : memref<2000xf32, #tpu.memory_space<vmem>>, vector<16xf32>,
            %get3A_129 = arith.index_cast %mul3A_127 : i32 to index
            %get3A_130 = tpu.vector_load %arg7[%get3A_129] {strides = array<i32>} : memref<2000xf32, #tpu.memory_space<vmem>>, vector<16xf32>,
            %get3A_131 = arith.index_cast %mul3A_127 : i32 to index
            %get3A_132 = tpu.vector_load %arg8[%get3A_131] {strides = array<i32>} : memref<2000xi32, #tpu.memory_space<vmem>>, vector<16xi32>,
            %sub3A_133 = arith.subf %get3A_130, %get3A_128 : vector<16xf32>
            %neg3A = arith.constant 0.000000e+00 : f32
            %neg3A_134 = vector.broadcast %neg3A : f32 to vector<16xf32>
            %neg3A_135 = arith.subf %neg3A_134, %sub3A_133 : vector<16xf32>
            %min3A = arith.minimumf %sub3A_133, %neg3A_135 : vector<16xf32>
            %exp3A = math.exp %min3A : vector<16xf32>
            %max3A_136 = arith.constant 0.000000e+00 : f32
            %max3A_137 = vector.broadcast %max3A_136 : f32 to vector<16xf32>
            %max3A_138 = arith.maximumf %sub3A_133, %max3A_137 : vector<16xf32>
            %broadcast_in_dim3A_139 = arith.constant -0.00607475266 : f32
            %broadcast_in_dim3A_140 = vector.broadcast %broadcast_in_dim3A_139 : f32 to vector<16xf32>
            %mul3A_141 = arith.mulf %broadcast_in_dim3A_140, %exp3A : vector<16xf32>
            %add3A_142 = arith.constant 0.0344179124 : f32
            %add3A_143 = vector.broadcast %add3A_142 : f32 to vector<16xf32>
            %add3A_144 = arith.addf %mul3A_141, %add3A_143 : vector<16xf32>
            %mul3A_145 = arith.mulf %add3A_144, %exp3A : vector<16xf32>
            %add3A_146 = arith.constant -0.0923123061 : f32
            %add3A_147 = vector.broadcast %add3A_146 : f32 to vector<16xf32>
            %add3A_148 = arith.addf %mul3A_145, %add3A_147 : vector<16xf32>
            %mul3A_149 = arith.mulf %add3A_148, %exp3A : vector<16xf32>
            %add3A_150 = arith.constant 0.164781883 : f32
            %add3A_151 = vector.broadcast %add3A_150 : f32 to vector<16xf32>
            %add3A_152 = arith.addf %mul3A_149, %add3A_151 : vector<16xf32>
            %mul3A_153 = arith.mulf %add3A_152, %exp3A : vector<16xf32>
            %add3A_154 = arith.constant -0.239189729 : f32
            %add3A_155 = vector.broadcast %add3A_154 : f32 to vector<16xf32>
            %add3A_156 = arith.addf %mul3A_153, %add3A_155 : vector<16xf32>
            %mul3A_157 = arith.mulf %add3A_156, %exp3A : vector<16xf32>
            %add3A_158 = arith.constant 0.331333667 : f32
            %add3A_159 = vector.broadcast %add3A_158 : f32 to vector<16xf32>
            %add3A_160 = arith.addf %mul3A_157, %add3A_159 : vector<16xf32>
            %mul3A_161 = arith.mulf %add3A_160, %exp3A : vector<16xf32>
            %add3A_162 = arith.constant -0.499801099 : f32
            %add3A_163 = vector.broadcast %add3A_162 : f32 to vector<16xf32>
            %add3A_164 = arith.addf %mul3A_161, %add3A_163 : vector<16xf32>
            %mul3A_165 = arith.mulf %add3A_164, %exp3A : vector<16xf32>
            %add3A_166 = arith.constant 0.999991476 : f32
            %add3A_167 = vector.broadcast %add3A_166 : f32 to vector<16xf32>
            %add3A_168 = arith.addf %mul3A_165, %add3A_167 : vector<16xf32>
            %mul3A_169 = arith.mulf %add3A_168, %exp3A : vector<16xf32>
            %add3A_170 = arith.constant 9.09903334E-8 : f32
            %add3A_171 = vector.broadcast %add3A_170 : f32 to vector<16xf32>
            %add3A_172 = arith.addf %mul3A_169, %add3A_171 : vector<16xf32>
            %add3A_173 = arith.addf %max3A_138, %add3A_172 : vector<16xf32>
            %gt3A = arith.constant 0 : i32
            %gt3A_174 = vector.broadcast %gt3A : i32 to vector<16xi32>
            %gt3A_175 = arith.cmpi sgt, %get3A_132, %gt3A_174 : vector<16xi32>
            %jit3A_176 = arith.constant -1.000000e+00 : f32
            %broadcast_in_dim3A_177 = vector.broadcast %jit3A_176 : f32 to vector<16xf32>
            %select_n3A_178 = arith.select %gt3A_175, %broadcast_in_dim3A_177, %add3A_173 : vector<16xi1>, vector<16xf32>
            %mul3A_179 = arith.constant 2000 : i32
            %mul3A_180 = arith.muli %scan3A_112, %mul3A_179 : i32
            %add3A_181 = arith.addi %mul3A_180, %mul3A_127 : i32
            %swap3A_182 = arith.index_cast %add3A_181 : i32 to index
            %swap3A_183 = tpu.vector_load %arg12[%swap3A_182] {strides = array<i32>} : memref<20000xf32, #tpu.memory_space<vmem>>, vector<16xf32>,
            tpu.vector_store %arg12[%swap3A_182], %select_n3A_178 {strides = array<i32>} : memref<20000xf32, #tpu.memory_space<vmem>>, vector<16xf32>,
            %scan3A_184 = arith.constant 0 : i32
            scf.yield %scan3A_184 : i32
          }
          %scan3A_123 = arith.constant 125 : i32
          scf.yield %scan3A_122 : i32
        }
        %scan3A_74 = arith.constant 10 : i32
        %scan3A_75 = arith.constant 0 : i32
        %scan3A_76 = arith.constant 2139095040 : i32
        %scan3A_77 = arith.constant 0 : i32
        %scan3A_78 = arith.constant 31 : i32
        %scan3A_79 = arith.addi %scan3A_77, %scan3A_78 : i32
        %scan3A_80 = arith.constant 1 : i32
        %scan3A_81:2 = scf.for %scan3A_112 = %scan3A_77 to %scan3A_79 step %scan3A_80 iter_args(%scan3A_113 = %scan3A_75, %scan3A_114 = %scan3A_76) -> (i32, i32)  : i32 {
          %sub3A_115 = arith.subi %scan3A_114, %scan3A_113 : i32
          %jit3A_116 = arith.constant 2 : i32
          %div3A = arith.divsi %sub3A_115, %jit3A_116 : i32
          %sign3A = arith.constant 0 : i32
          %sign3A_117 = arith.cmpi sgt, %sub3A_115, %sign3A : i32
          %sign3A_118 = arith.extui %sign3A_117 : i1 to i32
          %sign3A_119 = arith.constant 0 : i32
          %sign3A_120 = arith.cmpi slt, %sub3A_115, %sign3A_119 : i32
          %sign3A_121 = arith.extui %sign3A_120 : i1 to i32
          %sign3A_122 = arith.subi %sign3A_118, %sign3A_121 : i32
          %sign3A_123 = arith.constant 0 : i32
          %sign3A_124 = arith.cmpi sgt, %jit3A_116, %sign3A_123 : i32
          %sign3A_125 = arith.extui %sign3A_124 : i1 to i32
          %sign3A_126 = arith.constant 0 : i32
          %sign3A_127 = arith.cmpi slt, %jit3A_116, %sign3A_126 : i32
          %sign3A_128 = arith.extui %sign3A_127 : i1 to i32
          %sign3A_129 = arith.subi %sign3A_125, %sign3A_128 : i32
          %ne3A = arith.cmpi ne, %sign3A_122, %sign3A_129 : i32
          %rem3A = arith.remsi %sub3A_115, %jit3A_116 : i32
          %ne3A_130 = arith.constant 0 : i32
          %ne3A_131 = arith.cmpi ne, %rem3A, %ne3A_130 : i32
          %and3A = arith.andi %ne3A, %ne3A_131 : i1
          %sub3A_132 = arith.constant 1 : i32
          %sub3A_133 = arith.subi %div3A, %sub3A_132 : i32
          %select_n3A_134 = arith.select %and3A, %sub3A_133, %div3A : i32
          %add3A_135 = arith.addi %scan3A_113, %select_n3A_134 : i32
          %broadcast_in_dim3A_136 = vector.broadcast %add3A_135 : i32 to vector<16xi32>
          %bitcast3A_137 = vector.bitcast %broadcast_in_dim3A_136 : vector<16xi32> to vector<16xf32>
          %scan3A_138 = arith.constant 0 : i32
          %scan3A_139 = arith.constant 1250 : i32
          %scan3A_140 = arith.addi %scan3A_138, %scan3A_139 : i32
          %scan3A_141 = arith.constant 1 : i32
          %scan3A_142 = scf.for %scan3A_150 = %scan3A_138 to %scan3A_140 step %scan3A_141 iter_args(%scan3A_151 = %broadcast_in_dim3A_1) -> (vector<16xf32>)  : i32 {
            %mul3A_152 = arith.constant 16 : i32
            %mul3A_153 = arith.muli %scan3A_150, %mul3A_152 : i32
            %get3A = arith.index_cast %mul3A_153 : i32 to index
            %get3A_154 = tpu.vector_load %arg12[%get3A] {strides = array<i32>} : memref<20000xf32, #tpu.memory_space<vmem>>, vector<16xf32>,
            %ge3A_155 = arith.cmpf oge, %get3A_154, %bitcast3A_137 : vector<16xf32>
            %jit3A_156 = arith.constant 1.000000e+00 : f32
            %jit3A_157 = arith.constant 0.000000e+00 : f32
            %broadcast_in_dim3A_158 = vector.broadcast %jit3A_156 : f32 to vector<16xf32>
            %broadcast_in_dim3A_159 = vector.broadcast %jit3A_157 : f32 to vector<16xf32>
            %select_n3A_160 = arith.select %ge3A_155, %broadcast_in_dim3A_158, %broadcast_in_dim3A_159 : vector<16xi1>, vector<16xf32>
            %add3A_161 = arith.addf %scan3A_151, %select_n3A_160 : vector<16xf32>
            scf.yield %add3A_161 : vector<16xf32>
          }
          %scan3A_143 = arith.constant 1250 : i32
          %reduce_sum3A_144 = arith.constant true
          %reduce_sum3A_145 = vector.broadcast %reduce_sum3A_144 : i1 to vector<16xi1>
          %reduce_sum3A_146 = tpu.scan <sum>, %scan3A_142 masked %reduce_sum3A_145 : vector<16xf32>, vector<16xi1> -> vector<16xf32>
          %reduce_sum3A_147 = vector.extract %reduce_sum3A_146[15] : f32 from vector<16xf32>
          %ge3A = arith.cmpf oge, %reduce_sum3A_147, %convert_element_type3A_47 : f32
          %select_n3A_148 = arith.select %ge3A, %add3A_135, %scan3A_113 : i32
          %select_n3A_149 = arith.select %ge3A, %scan3A_114, %add3A_135 : i32
          scf.yield %select_n3A_148, %select_n3A_149 : i32, i32
        }
        %scan3A_82 = arith.constant 31 : i32
        %broadcast_in_dim3A_83 = vector.broadcast %scan3A_81#0 : i32 to vector<16xi32>
        %bitcast3A = vector.bitcast %broadcast_in_dim3A_83 : vector<16xi32> to vector<16xf32>
        %scan3A_84 = arith.constant 0 : i32
        %scan3A_85 = arith.constant 1250 : i32
        %scan3A_86 = arith.addi %scan3A_84, %scan3A_85 : i32
        %scan3A_87 = arith.constant 1 : i32
        %scan3A_88:2 = scf.for %scan3A_112 = %scan3A_84 to %scan3A_86 step %scan3A_87 iter_args(%scan3A_113 = %broadcast_in_dim3A_1, %scan3A_114 = %broadcast_in_dim3A_1) -> (vector<16xf32>, vector<16xf32>)  : i32 {
          %mul3A_115 = arith.constant 16 : i32
          %mul3A_116 = arith.muli %scan3A_112, %mul3A_115 : i32
          %get3A = arith.index_cast %mul3A_116 : i32 to index
          %get3A_117 = tpu.vector_load %arg12[%get3A] {strides = array<i32>} : memref<20000xf32, #tpu.memory_space<vmem>>, vector<16xf32>,
          %gt3A = arith.cmpf ogt, %get3A_117, %bitcast3A : vector<16xf32>
          %jit3A_118 = arith.constant 1.000000e+00 : f32
          %jit3A_119 = arith.constant 0.000000e+00 : f32
          %broadcast_in_dim3A_120 = vector.broadcast %jit3A_118 : f32 to vector<16xf32>
          %broadcast_in_dim3A_121 = vector.broadcast %jit3A_119 : f32 to vector<16xf32>
          %select_n3A_122 = arith.select %gt3A, %broadcast_in_dim3A_120, %broadcast_in_dim3A_121 : vector<16xi1>, vector<16xf32>
          %add3A_123 = arith.addf %scan3A_113, %select_n3A_122 : vector<16xf32>
          %jit3A_124 = arith.constant 0.000000e+00 : f32
          %broadcast_in_dim3A_125 = vector.broadcast %jit3A_124 : f32 to vector<16xf32>
          %select_n3A_126 = arith.select %gt3A, %get3A_117, %broadcast_in_dim3A_125 : vector<16xi1>, vector<16xf32>
          %add3A_127 = arith.addf %scan3A_114, %select_n3A_126 : vector<16xf32>
          scf.yield %add3A_123, %add3A_127 : vector<16xf32>, vector<16xf32>
        }
        %scan3A_89 = arith.constant 1250 : i32
        %reduce_sum3A_90 = arith.constant true
        %reduce_sum3A_91 = vector.broadcast %reduce_sum3A_90 : i1 to vector<16xi1>
        %reduce_sum3A_92 = tpu.scan <sum>, %scan3A_88#0 masked %reduce_sum3A_91 : vector<16xf32>, vector<16xi1> -> vector<16xf32>
        %reduce_sum3A_93 = vector.extract %reduce_sum3A_92[15] : f32 from vector<16xf32>
        %sub3A_94 = arith.subf %convert_element_type3A_47, %reduce_sum3A_93 : f32
        %broadcast_in_dim3A_95 = vector.broadcast %sub3A_94 : f32 to vector<16xf32>
        %mul3A_96 = arith.mulf %broadcast_in_dim3A_95, %bitcast3A : vector<16xf32>
        %reduce_sum3A_97 = arith.constant true
        %reduce_sum3A_98 = vector.broadcast %reduce_sum3A_97 : i1 to vector<16xi1>
        %reduce_sum3A_99 = tpu.scan <sum>, %scan3A_88#1 masked %reduce_sum3A_98 : vector<16xf32>, vector<16xi1> -> vector<16xf32>
        %reduce_sum3A_100 = vector.extract %reduce_sum3A_99[15] : f32 from vector<16xf32>
        %eq3A_101 = arith.constant 0 : i32
        %eq3A_102 = vector.broadcast %eq3A_101 : i32 to vector<16xi32>
        %eq3A_103 = arith.cmpi eq, %iota3A, %eq3A_102 : vector<16xi32>
        %jit3A_104 = arith.constant 0.000000e+00 : f32
        %broadcast_in_dim3A_105 = vector.broadcast %jit3A_104 : f32 to vector<16xf32>
        %select_n3A_106 = arith.select %eq3A_103, %mul3A_96, %broadcast_in_dim3A_105 : vector<16xi1>, vector<16xf32>
        %reduce_sum3A_107 = arith.constant true
        %reduce_sum3A_108 = vector.broadcast %reduce_sum3A_107 : i1 to vector<16xi1>
        %reduce_sum3A_109 = tpu.scan <sum>, %select_n3A_106 masked %reduce_sum3A_108 : vector<16xf32>, vector<16xi1> -> vector<16xf32>
        %reduce_sum3A_110 = vector.extract %reduce_sum3A_109[15] : f32 from vector<16xf32>
        %add3A_111 = arith.addf %reduce_sum3A_100, %reduce_sum3A_110 : f32
        scf.yield %add3A_111 : f32
      } else {
        %sub3A_68 = arith.subf %reduce_sum3A_32, %reduce_sum3A_36 : f32
        scf.yield %sub3A_68 : f32
      }
      %eq3A = arith.constant 0 : i32
      %eq3A_51 = vector.broadcast %eq3A : i32 to vector<16xi32>
      %eq3A_52 = arith.cmpi eq, %iota3A, %eq3A_51 : vector<16xi32>
      %broadcast_in_dim3A_53 = vector.broadcast %convert_element_type3A : f32 to vector<16xf32>
      %eq3A_54 = arith.constant 1 : i32
      %eq3A_55 = vector.broadcast %eq3A_54 : i32 to vector<16xi32>
      %eq3A_56 = arith.cmpi eq, %iota3A, %eq3A_55 : vector<16xi32>
      %broadcast_in_dim3A_57 = vector.broadcast %sub3A : f32 to vector<16xf32>
      %eq3A_58 = arith.constant 2 : i32
      %eq3A_59 = vector.broadcast %eq3A_58 : i32 to vector<16xi32>
      %eq3A_60 = arith.cmpi eq, %iota3A, %eq3A_59 : vector<16xi32>
      %broadcast_in_dim3A_61 = vector.broadcast %cond3A_50 : f32 to vector<16xf32>
      %jit3A = arith.constant 0.000000e+00 : f32
      %broadcast_in_dim3A_62 = vector.broadcast %jit3A : f32 to vector<16xf32>
      %select_n3A = arith.select %eq3A_60, %broadcast_in_dim3A_61, %broadcast_in_dim3A_62 : vector<16xi1>, vector<16xf32>
      %select_n3A_63 = arith.select %eq3A_56, %broadcast_in_dim3A_57, %select_n3A : vector<16xi1>, vector<16xf32>
      %select_n3A_64 = arith.select %eq3A_52, %broadcast_in_dim3A_53, %select_n3A_63 : vector<16xi1>, vector<16xf32>
      %swap3A = arith.constant 0 : index
      %swap3A_65 = tpu.vector_load %arg13[%swap3A] {strides = array<i32>} : memref<16xf32, #tpu.memory_space<vmem>>, vector<16xf32>,
      tpu.vector_store %arg13[%swap3A], %select_n3A_64 {strides = array<i32>} : memref<16xf32, #tpu.memory_space<vmem>>, vector<16xf32>,
      %mul3A_66 = arith.constant 16 : i32
      %mul3A_67 = arith.muli %add3A_12, %mul3A_66 : i32
      "tpu.region"() ({
        %run_scoped3A = tpu.sem_alloc : memref<!tpu.dma_semaphore, #tpu.memory_space<semaphore_mem>>
        %dma_start3A_68 = tpu.memref_slice %arg5[%mul3A_67] : memref<2048xf32, #tpu.memory_space<hbm>> -> memref<16xf32, #tpu.memory_space<hbm>>
        %dma_start3A_69 = tpu.memref_slice %arg5[%mul3A_67] : memref<2048xf32, #tpu.memory_space<hbm>> -> memref<16xf32, #tpu.memory_space<hbm>>
        tpu.enqueue_dma source(%arg13 : memref<16xf32, #tpu.memory_space<vmem>>) target(%dma_start3A_69 : memref<16xf32, #tpu.memory_space<hbm>>) target_semaphore(%run_scoped3A : memref<!tpu.dma_semaphore, #tpu.memory_space<semaphore_mem>>)
        %dma_wait3A = tpu.memref_slice %arg5[%mul3A_67] : memref<2048xf32, #tpu.memory_space<hbm>> -> memref<16xf32, #tpu.memory_space<hbm>>
        %dma_wait3A_70 = tpu.memref_slice %arg5[%mul3A_67] : memref<2048xf32, #tpu.memory_space<hbm>> -> memref<16xf32, #tpu.memory_space<hbm>>
        tpu.wait_dma2 semaphore(%run_scoped3A : memref<!tpu.dma_semaphore, #tpu.memory_space<semaphore_mem>>) src(%arg13 : memref<16xf32, #tpu.memory_space<vmem>>) dst(%dma_wait3A_70 : memref<16xf32, #tpu.memory_space<hbm>>)
        tpu.yield
      }) : () -> ()
    }
    %scan3A_8 = arith.constant 4 : i32
    return
  }
}

module attributes {stable_mosaic.version = 14 : i64} {
  func.func @_tc_body(%arg0: i32, %arg1: memref<1x625x32xi32, #tpu.memory_space<vmem>>, %arg2: memref<1x625x128xf32, #tpu.memory_space<vmem>>, %arg3: memref<1x625x128xf32, #tpu.memory_space<vmem>>, %arg4: memref<1x1x128xf32, #tpu.memory_space<vmem>>) attributes {dimension_semantics = [#tpu.dimension_semantics<arbitrary>], iteration_bounds = array<i64: 128>, scalar_prefetch = 0 : i64, scratch_operands = 0 : i64, tpu.core_type = #tpu.core_type<tc>, window_params = [{transform_indices = @transform_0, window_bounds = array<i64: 1, 625, 32>}, {transform_indices = @transform_1, window_bounds = array<i64: 1, 625, 128>}, {transform_indices = @transform_2, window_bounds = array<i64: 1, 625, 128>}, {transform_indices = @transform_3, window_bounds = array<i64: 1, 1, 128>}]} {
    %get3A = arith.constant 0 : index
    %get3A_0 = arith.constant 0 : index
    %get3A_1 = arith.constant 0 : index
    %get3A_2 = vector.load %arg1[%get3A, %get3A_0, %get3A_1] : memref<1x625x32xi32, #tpu.memory_space<vmem>>, vector<1x625x32xi32>
    %get3A_3 = vector.shape_cast %get3A_2 : vector<1x625x32xi32> to vector<625x32xi32>
    %get3A_4 = arith.constant 0 : index
    %get3A_5 = arith.constant 0 : index
    %get3A_6 = arith.constant 0 : index
    %get3A_7 = vector.load %arg2[%get3A_4, %get3A_5, %get3A_6] : memref<1x625x128xf32, #tpu.memory_space<vmem>>, vector<1x625x128xf32>
    %get3A_8 = vector.shape_cast %get3A_7 : vector<1x625x128xf32> to vector<625x128xf32>
    %get3A_9 = arith.constant 0 : index
    %get3A_10 = arith.constant 0 : index
    %get3A_11 = arith.constant 0 : index
    %get3A_12 = vector.load %arg3[%get3A_9, %get3A_10, %get3A_11] : memref<1x625x128xf32, #tpu.memory_space<vmem>>, vector<1x625x128xf32>
    %get3A_13 = vector.shape_cast %get3A_12 : vector<1x625x128xf32> to vector<625x128xf32>
    %gt3A = arith.constant 0 : i32
    %gt3A_14 = vector.broadcast %gt3A : i32 to vector<625x32xi32>
    %gt3A_15 = arith.cmpi sgt, %get3A_3, %gt3A_14 : vector<625x32xi32>
    %convert_element_type3A = arith.extui %gt3A_15 : vector<625x32xi1> to vector<625x32xi32>
    %convert_element_type3A_16 = arith.sitofp %convert_element_type3A : vector<625x32xi32> to vector<625x32xf32>
    %sub3A = arith.subf %get3A_8, %get3A_13 : vector<625x128xf32>
    %abs3A = math.absf %sub3A : vector<625x128xf32>
    %lt3A = arith.constant 1.000000e+00 : f32
    %lt3A_17 = vector.broadcast %lt3A : f32 to vector<625x128xf32>
    %lt3A_18 = arith.cmpf olt, %abs3A, %lt3A_17 : vector<625x128xf32>
    %mul3A = arith.constant 5.000000e-01 : f32
    %mul3A_19 = vector.broadcast %mul3A : f32 to vector<625x128xf32>
    %mul3A_20 = arith.mulf %mul3A_19, %sub3A : vector<625x128xf32>
    %mul3A_21 = arith.mulf %mul3A_20, %sub3A : vector<625x128xf32>
    %sub3A_22 = arith.constant 5.000000e-01 : f32
    %sub3A_23 = vector.broadcast %sub3A_22 : f32 to vector<625x128xf32>
    %sub3A_24 = arith.subf %abs3A, %sub3A_23 : vector<625x128xf32>
    %select_n3A = arith.select %lt3A_18, %mul3A_21, %sub3A_24 : vector<625x128xi1>, vector<625x128xf32>
    %iota3A = tpu.iota {dimensions = array<i32: 1>} : vector<32x128xi32>
    %iota3A_25 = tpu.iota {dimensions = array<i32: 0>} : vector<32x128xi32>
    %jit3A = arith.constant 4 : i32
    %div3A = vector.broadcast %jit3A : i32 to vector<32x128xi32>
    %div3A_26 = arith.divsi %iota3A, %div3A : vector<32x128xi32>
    %sign3A = arith.constant 0 : i32
    %sign3A_27 = vector.broadcast %sign3A : i32 to vector<32x128xi32>
    %sign3A_28 = arith.cmpi sgt, %iota3A, %sign3A_27 : vector<32x128xi32>
    %sign3A_29 = arith.extui %sign3A_28 : vector<32x128xi1> to vector<32x128xi32>
    %sign3A_30 = arith.constant 0 : i32
    %sign3A_31 = vector.broadcast %sign3A_30 : i32 to vector<32x128xi32>
    %sign3A_32 = arith.cmpi slt, %iota3A, %sign3A_31 : vector<32x128xi32>
    %sign3A_33 = arith.extui %sign3A_32 : vector<32x128xi1> to vector<32x128xi32>
    %sign3A_34 = arith.subi %sign3A_29, %sign3A_33 : vector<32x128xi32>
    %sign3A_35 = arith.constant 0 : i32
    %sign3A_36 = arith.cmpi sgt, %jit3A, %sign3A_35 : i32
    %sign3A_37 = arith.extui %sign3A_36 : i1 to i32
    %sign3A_38 = arith.constant 0 : i32
    %sign3A_39 = arith.cmpi slt, %jit3A, %sign3A_38 : i32
    %sign3A_40 = arith.extui %sign3A_39 : i1 to i32
    %sign3A_41 = arith.subi %sign3A_37, %sign3A_40 : i32
    %ne3A = vector.broadcast %sign3A_41 : i32 to vector<32x128xi32>
    %ne3A_42 = arith.cmpi ne, %sign3A_34, %ne3A : vector<32x128xi32>
    %rem3A = vector.broadcast %jit3A : i32 to vector<32x128xi32>
    %rem3A_43 = arith.remsi %iota3A, %rem3A : vector<32x128xi32>
    %ne3A_44 = arith.constant 0 : i32
    %ne3A_45 = vector.broadcast %ne3A_44 : i32 to vector<32x128xi32>
    %ne3A_46 = arith.cmpi ne, %rem3A_43, %ne3A_45 : vector<32x128xi32>
    %and3A = arith.andi %ne3A_42, %ne3A_46 : vector<32x128xi1>
    %sub3A_47 = arith.constant 1 : i32
    %sub3A_48 = vector.broadcast %sub3A_47 : i32 to vector<32x128xi32>
    %sub3A_49 = arith.subi %div3A_26, %sub3A_48 : vector<32x128xi32>
    %select_n3A_50 = arith.select %and3A, %sub3A_49, %div3A_26 : vector<32x128xi1>, vector<32x128xi32>
    %eq3A = arith.cmpi eq, %select_n3A_50, %iota3A_25 : vector<32x128xi32>
    %convert_element_type3A_51 = arith.extui %eq3A : vector<32x128xi1> to vector<32x128xi32>
    %convert_element_type3A_52 = arith.sitofp %convert_element_type3A_51 : vector<32x128xi32> to vector<32x128xf32>
    %dot_general3A = arith.constant dense<0.000000e+00> : vector<625x128xf32>
    %dot_general3A_53 = tpu.matmul %convert_element_type3A_16, %convert_element_type3A_52, %dot_general3A {dimension_numbers = #tpu.dot_dimension_numbers<[1], [0], [0], [1], [0, 0, 1, 1], [], []>, transpose_lhs_hint = false} : vector<625x32xf32>, vector<32x128xf32>, vector<625x128xf32> -> vector<625x128xf32>
    %mul3A_54 = arith.mulf %dot_general3A_53, %select_n3A : vector<625x128xf32>
    %reduce_sum3A = arith.constant dense<0.000000e+00> : vector<128xf32>
    %reduce_sum3A_55 = vector.multi_reduction <add>, %mul3A_54, %reduce_sum3A [0] : vector<625x128xf32> to vector<128xf32>
    %reshape3A = vector.shape_cast %reduce_sum3A_55 : vector<128xf32> to vector<1x1x128xf32>
    %swap3A = arith.constant 0 : index
    %swap3A_56 = arith.constant 0 : index
    %swap3A_57 = arith.constant 0 : index
    %swap3A_58 = vector.load %arg4[%swap3A, %swap3A_56, %swap3A_57] : memref<1x1x128xf32, #tpu.memory_space<vmem>>, vector<1x1x128xf32>
    tpu.vector_store %arg4[%swap3A, %swap3A_56, %swap3A_57], %reshape3A {strides = array<i32>} : memref<1x1x128xf32, #tpu.memory_space<vmem>>, vector<1x1x128xf32>,
    return
  }
  func.func @transform_0(%arg0: i32) -> (i32, i32, i32) {
    %c0_i32 = arith.constant 0 : i32
    %c0_i32_0 = arith.constant 0 : i32
    %c0_i32_1 = arith.constant 0 : i32
    return %arg0, %c0_i32, %c0_i32_0 : i32, i32, i32
  }
  func.func @transform_1(%arg0: i32) -> (i32, i32, i32) {
    %c0_i32 = arith.constant 0 : i32
    %c0_i32_0 = arith.constant 0 : i32
    %c0_i32_1 = arith.constant 0 : i32
    return %arg0, %c0_i32, %c0_i32_0 : i32, i32, i32
  }
  func.func @transform_2(%arg0: i32) -> (i32, i32, i32) {
    %c0_i32 = arith.constant 0 : i32
    %c0_i32_0 = arith.constant 0 : i32
    %c0_i32_1 = arith.constant 0 : i32
    return %arg0, %c0_i32, %c0_i32_0 : i32, i32, i32
  }
  func.func @transform_3(%arg0: i32) -> (i32, i32, i32) {
    %c0_i32 = arith.constant 0 : i32
    %c0_i32_0 = arith.constant 0 : i32
    %c0_i32_1 = arith.constant 0 : i32
    return %arg0, %c0_i32, %c0_i32_0 : i32, i32, i32
  }
}

</mosaic_0001>

<sc_bundles>
// kernel: kernel.4.cloned.1.call-start
scs
__scs_entry_jumppad:
0x0: {  	(pc) =	sbr.rel $0x88, $3  }
0x1: {  	(tag) =	ssettag $0x0;
	lr =	simm.s32 $0x1  }
0x2: {  	[smem:$0x3F9D] =	sst lr;
	_ =	strace $0xD0000000  }
0x3: {  	_ = 	snop  }
0x4: {  	_ = 	snop  }
0x5: {  	_ = 	snop  }
0x6: {  	_ = 	snop  }
0x7: {  	_ = 	snop  }
__scs_overlays_trampoline_lowered:
0x8: {  	[smem:$0x3FAC] =	sst s0  }
0x9: {  	[smem:$0x3FAD] =	sst s1  }
0xa: {  	[smem:$0x3FAE] =	sst s2  }
0xb: {  	[smem:$0x3FAF] =	sst s3  }
0xc: {  	[smem:$0x3FB0] =	sst s4  }
0xd: {  	[smem:$0x3FB1] =	sst s5  }
0xe: {  	[smem:$0x3FB2] =	sst s6  }
0xf: {  	[smem:$0x3FB3] =	sst s7  }
0x10: {  	[smem:$0x3FB4] =	sst s8  }
0x11: {  	[smem:$0x3FB5] =	sst s9;
	s0 =	simm.s32 @!p0 $0x0  }
0x12: {  	s1 =	sld [smem:$0x3F9B];
	s0 =	simm.s32 @p0 $0x1  }
0x13: {  	[smem:$0x3FB6] =	sst s0;
	s0 =	simm.s32 @!p1 $0x0  }
0x14: {  	s2 =	sld [smem:$0x3F9A];
	s0 =	simm.s32 @p1 $0x1  }
0x15: {  	[smem:$0x3FB7] =	sst s0;
	s0 =	simm.s32 @!p2 $0x0  }
0x16: {  	s3 =	sld [smem:$0x3FDB];
	s0 =	simm.s32 @p2 $0x1  }
0x17: {  	s4 =	simm.s32 $0x1BF5;
	[smem:$0x3FB9] =	sst s0  }
0x18: {  	s0 =	sld [smem:$0x3F9C];
	_ =	swait.ge [sflag:s4], $0x0  }
0x19: {  	s7 =	sld [smem:$0x3F9D]  }
0x1a: {  	s8 =	sadd.s32 $0xFFFFE003, lr  }
0x1b: {  	s9 =	sadd.s32 $0xFFFFFEF7, lr;
	s5 =	simm.s32 $0xFFFFFFFF;
	p2 =	slt.u32 s8, $0xFFFFF086  }
0x1c: {  	p1 =	slt.u32 s9, $0xF7A;
	s5 =	simm.s32 @!p2 $0x0  }
0x1d: {  	s5 =	simm.s32 @p1 $0x1;
	p0 =	seq.s32 s7, s2  }
0x1e: {  	s7 =	smul.u32 @!p0 $0xF7A, s2;
	p2 =	seq.s32 @!p0 s5, $0x0  }
0x1f: {  	s9 =	smul.u32 $0xF7A, s1;
	s8 =	simm.s32 @!p0 $0x1BF5;
	p2 =	por !p2, p0  }
0x20: {  	[sflag:s8] =	ssyncset.s32 @!p0 $0xFFFFF086;
	s6 =	sadd.s32 @!p0 s3, s7;
	s7 =	simm.s32 @!p0 $0x108  }
0x21: {  	s3 =	sadd.s32 s3, s9;
	s6 =	sadd.s32 @!p0 $0x88, s6;
	s7 =	simm.s32 @p2 $0x1082  }
0x22: {  	[simem:s7], [sflag:s8] =	dma.local @!p0 [hbm:s6], $0xF7A  }
0x23: {  	s9 =	sor.u32 $0xD0000000, s2;
	s6 =	simm.s32 $0x108;
	_ =	swait.ge @!p0 [sflag:s8], $0x0  }
0x24: {  	s3 =	sadd.s32 $0x88, s3;
	s6 =	simm.s32 @!p1 $0x1082;
	[sflag:s4] =	ssyncset.s32 $0xFFFFF086  }
0x25: {  	[simem:s6], [sflag:s4] =	dma.local [hbm:s3], $0xF7A  }
0x26: {  	[smem:$0x3F9D] =	sst s1;
	(tag) =	ssettag s2;
	_ =	strace s9  }
0x27: {  	s1 =	sld [smem:$0x3FAD]  }
0x28: {  	s2 =	sld [smem:$0x3FAE]  }
0x29: {  	s4 =	sld [smem:$0x3FB0]  }
0x2a: {  	p0 =	seq.s32 s5, $0x0;
	s5 =	sld [smem:$0x3FB1]  }
0x2b: {  	s6 =	sld [smem:$0x3FB2]  }
0x2c: {  	s7 =	sld [smem:$0x3FB3]  }
0x2d: {  	s3 =	simm.s32 $0x108;
	s8 =	sld [smem:$0x3FB4]  }
0x2e: {  	s3 =	simm.s32 @!p0 $0x1082;
	s9 =	sld [smem:$0x3FB5]  }
0x2f: {  	lr =	sadd.s32 s0, s3;
	s0 =	sld [smem:$0x3FAC]  }
0x30: {  	s3 =	sld [smem:$0x3FAF]  }
0x31: {  	[smem:$0x3FB8] =	sst s10  }
0x32: {  	s10 =	sld [smem:$0x3FB6];
	_ =	sdelay $0x3  }
0x33: {  	p0 =	seq.s32 s10, $0x1;
	s10 =	sld [smem:$0x3FB8];
	_ =	sdelay $0x3  }
0x34: {  	[smem:$0x3FB8] =	sst s10  }
0x35: {  	s10 =	sld [smem:$0x3FB7];
	_ =	sdelay $0x3  }
0x36: {  	p1 =	seq.s32 s10, $0x1;
	s10 =	sld [smem:$0x3FB8];
	_ =	sdelay $0x3  }
0x37: {  	[smem:$0x3FB8] =	sst s10  }
0x38: {  	s10 =	sld [smem:$0x3FB9]  }
0x39: {  	_ = 	snop;
	(pc) =	sbr.ind lr, $3  }
0x3a: {  	_ = 	snop  }
0x3b: {  	_ = 	snop  }
0x3c: {  	p2 =	seq.s32 s10, $0x1;
	s10 =	sld [smem:$0x3FB8]  }
0x3d: {  	_ =	shalt  }
0x3e: {  	_ =	shalt  }
0x3f: {  	_ =	shalt  }
0x40: {  	_ =	shalt  }
0x41: {  	_ =	shalt  }
0x42: {  	_ =	shalt  }
0x43: {  	_ =	shalt  }
0x44: {  	_ =	shalt  }
0x45: {  	_ =	shalt  }
0x46: {  	_ =	shalt  }
0x47: {  	_ =	shalt  }
0x48: {  	_ =	shalt  }
0x49: {  	_ =	shalt  }
0x4a: {  	_ =	shalt  }
0x4b: {  	_ =	shalt  }
0x4c: {  	_ =	shalt  }
0x4d: {  	_ =	shalt  }
0x4e: {  	_ =	shalt  }
0x4f: {  	_ =	shalt  }
0x50: {  	_ =	shalt  }
0x51: {  	_ =	shalt  }
0x52: {  	_ =	shalt  }
0x53: {  	_ =	shalt  }
0x54: {  	_ =	shalt  }
0x55: {  	_ =	shalt  }
0x56: {  	_ =	shalt  }
0x57: {  	_ =	shalt  }
0x58: {  	_ =	shalt  }
0x59: {  	_ =	shalt  }
0x5a: {  	_ =	shalt  }
0x5b: {  	_ =	shalt  }
0x5c: {  	_ =	shalt  }
0x5d: {  	_ =	shalt  }
0x5e: {  	_ =	shalt  }
0x5f: {  	_ =	shalt  }
0x60: {  	_ =	shalt  }
0x61: {  	_ =	shalt  }
0x62: {  	_ =	shalt  }
0x63: {  	_ =	shalt  }
0x64: {  	_ =	shalt  }
0x65: {  	_ =	shalt  }
0x66: {  	_ =	shalt  }
0x67: {  	_ =	shalt  }
0x68: {  	_ =	shalt  }
0x69: {  	_ =	shalt  }
0x6a: {  	_ =	shalt  }
0x6b: {  	_ =	shalt  }
0x6c: {  	_ =	shalt  }
0x6d: {  	_ =	shalt  }
0x6e: {  	_ =	shalt  }
0x6f: {  	_ =	shalt  }
0x70: {  	_ =	shalt  }
0x71: {  	_ =	shalt  }
0x72: {  	_ =	shalt  }
0x73: {  	_ =	shalt  }
0x74: {  	_ =	shalt  }
0x75: {  	_ =	shalt  }
0x76: {  	_ =	shalt  }
0x77: {  	_ =	shalt  }
0x78: {  	_ =	shalt  }
0x79: {  	_ =	shalt  }
0x7a: {  	_ =	shalt  }
0x7b: {  	_ =	shalt  }
0x7c: {  	_ =	shalt  }
0x7d: {  	_ =	shalt  }
0x7e: {  	_ =	shalt  }
0x7f: {  	_ =	shalt  }
0x80: {  	_ =	shalt  }
0x81: {  	_ =	shalt  }
0x82: {  	_ =	shalt  }
0x83: {  	_ =	shalt  }
0x84: {  	_ =	shalt  }
0x85: {  	_ =	shalt  }
0x86: {  	_ =	shalt  }
0x87: {  	_ =	shalt  }
.Lfunc_end0:
.L_simem_size_0:
called_computation_lowered:
.L_overlay_start_0:
0x88: {  	s2 =	sld [smem:$0x3FD9]  }
0x89: {  	s3 =	sld [smem:$0x3FFE];
	_ =	sdelay $0x1  }
0x8a: {  	s1 =	srdreg.scid  }
0x8b: {  	s0 =	sand.u32 $0x1, s1  }
0x8c: {  	s16 =	sshll.u32 s0, $0xA;
	s2 =	sadd.s32 s3, s2  }
0x8d: {  	s2 =	sadd.s32 s2, s16  }
0x8e: {  	[smem:$0x3FC4] =	sst s2  }
0x8f: {  	_ = 	snop  }
0x90: {  	(tm) =	ssettm $0x1  }
0x91: {  	s17 =	sld [smem:$0x3FFB];
	_ =	sdelay $0x3  }
0x92: {  	_ =	strace s17  }
0x93: {  	s2 =	sld [smem:$0x3FFC];
	_ =	sdelay $0x3  }
0x94: {  	_ =	strace s2  }
0x95: {  	s2 =	sld [smem:$0x3FFD];
	_ =	sdelay $0x3  }
0x96: {  	_ =	strace s2  }
0x97: {  	_ =	strace $0x8FFFFFFF  }
0x98: {  	s18 =	sld [smem:$0x3FDB];
	_ =	sdelay $0x1  }
0x99: {  	s19 =	simm.s32 $_scs_section_size  }
0x9a: {  	s4 =	simm.s32 $_size__tile_overlayer_lowered;
	s5 =	simm.s32 $_tile_overlayer_lowered  }
0x9b: {  	s22 =	simm.s32 $0x1BFF;
	s21 =	sshll.u32 s5, $0x1;
	s2 =	sadd.s32 s19, s18  }
0x9c: {  	s6 =	simm.s32 $0x0;
	s20 =	sshll.u32 s4, $0x1;
	s4 =	sadd.s32 s21, s2  }
0x9d: {  	[timem:s6], [sflag:s22] =	dma.local [hbm:s4], s20  }
0x9e: {  	_ =	swait.ge [sflag:s22], s20  }
0x9f: {  	s3 =	ssub.s32 $0x0, s20;
	[sflag:s22] =	ssyncset.done $0x0  }
0xa0: {  	[sflag:s22] =	ssyncadd.s32 s3;
	_ =	sdelay $0x1  }
0xa1: {  	s23 =	simm.s32 $0x1B8B  }
0xa2: {  	_ =	swait.ge [sflag:s23], $0x1  }
0xa3: {  	[sflag:s23] =	ssyncset.done $0x0  }
0xa4: {  	s25 =	simm.s32 $0x1B8E;
	s24 =	sld [smem:$0x3FFE];
	[sflag:s23] =	ssyncadd.s32 $0xFFFFFFFF  }
0xa5: {  	s26 =	simm.s32 $execute0_lowered;
	[smem:$0x3FD2] =	sst s25  }
0xa6: {  	s4 =	sshll.u32 s26, $0x1;
	_ =	strace $0x80000046;
	[dreg:$0x1] =	wrdreg $0xFFFFFFFF  }
0xa7: {  	s28 =	simm.s32 $_size_execute0_lowered;
	s2 =	sadd.s32 s2, s4;
	[dreg:$0x0] =	wrdreg $0x0  }
0xa8: {  	s4 =	sshll.u32 s28, $0x1;
	[dreg:$0x2] =	wrdreg s2  }
0xa9: {  	[dreg:$0x3] =	wrdreg s4  }
0xaa: {  	[dreg:$0x4] =	wrdreg $0xC0  }
0xab: {  	_ =	task [dreg:s6], $0x5FFFF  }
0xac: {  	[dreg:$0x1] =	wrdreg $0xFFFFFFFF  }
0xad: {  	[dreg:$0x0] =	wrdreg $0x60  }
0xae: {  	[dreg:$0x2] =	wrdreg s24  }
0xaf: {  	[dreg:$0x3] =	wrdreg $0x9  }
0xb0: {  	_ =	task.clear_ibuf [dreg:s6], $0x4FFFF;
	_ =	strace $0x90000046  }
0xb1: {  	s29 =	simm.s32 $0x9;
	_ =	strace $0x80000048  }
0xb2: {  	_ =	swait.ge [sflag:s29], $0x1  }
0xb3: {  	[sflag:s29] =	ssyncadd.s32 $0xFFFFFFFF  }
0xb4: {  	_ =	strace $0x90000048  }
0xb5: {  	_ =	sfence  }
0xb6: {  	s30 =	sld [smem:$0x0];
	_ =	sdelay $0x2  }
0xb7: {  	s31 =	sshll.u32 s1, $0xD;
	s1 =	sshrl.u32 s1, $0x2  }
0xb8: {  	s3 =	sand.u32 $0x4000, s31;
	s1 =	sadd.s32 s1, s30  }
0xb9: {  	s0 =	sor.u32 s3, s0;
	s1 =	sshll.u32 s1, $0x11  }
0xba: {  	s0 =	sor.u32 s1, s0  }
0xbb: {  	s0 =	sadd.s32 $0x8F2B, s0  }
0xbc: {  	[sflag:s0] =	ssyncadd.remote.s32 $0x1  }
0xbd: {  	_ =	sfence.sel $0xFFFF  }
0xbe: {  	[dreg:$0x0] =	wrdreg $0xFFFFFFFF;
	(pc) =	sbr.abs _section_cstart, $3  }
0xbf: {  	[dreg:$0x1] =	wrdreg $0xFFFFFFFF  }
0xc0: {  	_ =	task.clear_ibuf [dreg:s6], $0x2FFFF;
	_ =	strace $0x9FFFFFFF  }
0xc1: {  	(tm) =	ssettm $0x7FFFFFFF  }
tec
execute0_lowered:
.L_overlay_start_1:
0x0: {  	(tag) =	ssettag $0x1  }
0x1: {  	s1 =	rddreg [dreg:$0x0]  }
0x2: {  	s2 =	simm.s32 $0x0;
	s3 =	srdreg.scid;
	s10 =	simm.s32 $0x1000  }
0x3: {  	s11 =	simm.s32 $0x1800;
	s12 =	simm.s32 $0x2000;
	s13 =	simm.s32 $0x2800  }
0x4: {  	s14 =	simm.s32 $0x1;
	s15 =	simm.s32 $0x2;
	s16 =	simm.s32 $0x3  }
0x5: {  	s17 =	simm.s32 $0x7E80;
	s18 =	simm.s32 $0x0;
	[smem:$0x7FF] =	sst s2  }
.Ltmp0:
0x6: {  	s7 =	sand.u32 $0x1, s3;
	s4 =	sadd.s32 $0x4E200, s1;
	(pc) =	sbr.rel .LBB2_1-.Ltmp0, $4  }
0x7: {  	s5 =	sadd.s32 $0x9C400, s1;
	s6 =	sadd.s32 $0xEA600, s1;
	s8 =	ssub.s32 $0x2, s7  }
0x8: {  	s3 =	stileid.u32;
	_ =	strace $0x80000047;
	s9 =	sshrl.u32 s8, $0x1  }
0x9: {  	v0 =	vimm.f32 $0.0e+00;
	s31 =	sshll.u32 s3, $0x3;
	s7 =	sshll.u32 s7, $0x2;
	s8 =	ssub.s32 s8, s9  }
0xa: {  	vm0 =	vcmask $0x300;
	vm1 =	vcmask $0x704;
	vm2 =	vcmask $0xB08;
	s7 =	sor.u32 s7, s31;
	s9 =	simm.s32 $0x800;
	s8 =	smax.u32 s8, $0x1  }
.LBB2_26:
0xb: {  	s18 =	sadd.s32 $0x1, s18  }
0xc: {  	p0 =	sne.s32 s18, s8  }
.Ltmp1:
0xd: {  	_ = 	snop;
	(pc) =	sbr.rel @!p0 .LBB2_27-.Ltmp1, $1  }
0xe: {  	_ =	sdelay $0x3  }
.LBB2_1:
.Ltmp2:
0xf: {  	(pc) =	sbr.rel .LBB2_2-.Ltmp2, $2  }
0x10: {  	_ =	sdelay $0x2  }
0x11: {  	s19 =	simm.s32 $0x0  }
.LBB2_24:
0x12: {  	_ = 	snop  }
0x13: {  	(xrf2) =	vadd.scan.msk.f32 $0xffff, v1;
	_ =	sdelay $0x9  }
0x14: {  	v1, _, _ =	vpop (xrf2)  }
0x15: {  	(v2sf) =	vpush v1, $0xF;
	_ =	sdelay $0xe  }
0x16: {  	s0 =	spop (v2sf)  }
0x17: {  	s21 =	ssub.f32 s0, s23  }
.LBB2_25:
0x18: {  	s0 =	ssub.f32 s23, s24;
	v1 =	vmov s22  }
0x19: {  	v1 =	vnsel vm0, $0x0, v1  }
0x1a: {  	s19 =	sadd.s32 $0x1, s19;
	v1 =	vsel vm1, s0, v1  }
0x1b: {  	s31 =	sshll.u32 s20, $0x1;
	p0 =	sne.s32 s19, $0x4;
	v1 =	vsel vm2, s21, v1  }
.Ltmp3:
0x1c: {  	s0 =	sadd.s32 s6, s31;
	[tilespmem:$0x7E80] =	vst v1;
	(pc) =	sbr.rel @!p0 .LBB2_26-.Ltmp3, $4  }
0x1d: {  	[hbm4b:s0+s2] =	stream.linear.scatter [tilespmem:s17], [sflag:$0x3], $0x10, $0x38;
	[tilespmem:$0x7F00] =	vst v63  }
0x1e: {  	_ =	swait.ge [sflag:s16], $0x10  }
0x1f: {  	[sflag:s16] =	ssyncset.done $0x0  }
0x20: {  	[sflag:s16] =	ssyncadd.s32 $0xFFFFFFF0  }
.LBB2_2:
0x21: {  	s20 =	sadd.s32 s7, s19  }
0x22: {  	s21 =	smul.u32 $0x4E20, s20;
	_ =	sdelay $0x1  }
0x23: {  	s23 =	sshrl.u32 s21, $0x3  }
0x24: {  	s22 =	simm.s32 $0x0;
	s24 =	sadd.s32 s1, s23  }
0x25: {  	[tilespmem:s22], [sflag:$0x1] =	stream.linear.gather [hbm4b:s24+s22], $0x7D0, $0x38;
	[tilespmem:$0x7F00] =	vst v63  }
0x26: {  	s31 =	sadd.s32 s4, s23  }
0x27: {  	[tilespmem:s9], [sflag:$0x1] =	stream.linear.gather [hbm4b:s31+s22], $0x7D0, $0x38;
	[tilespmem:$0x7F00] =	vst v63  }
0x28: {  	s23 =	sadd.s32 s5, s23  }
0x29: {  	v17 =	vimm.f32 $0.0e+00;
	[tilespmem:s10], [sflag:$0x1] =	stream.linear.gather [hbm4b:s23+s22], $0x7D0, $0x38;
	[tilespmem:$0x7F00] =	vst v63  }
0x2a: {  	v10 =	vimm.s32 $0x0;
	v2 =	vimm.f32 $0.0e+00;
	v1 =	vimm.f32 $0.0e+00;
	s24 =	sadd.s32 $0xFA0, s21;
	s23 =	sadd.s32 $0x7D0, s21  }
.LBB2_3:
0x2b: {  	s25 =	smul.u32 $0xFA0, s22;
	_ =	sdelay $0x1  }
0x2c: {  	s26 =	sadd.s32 s25, s23  }
0x2d: {  	s26 =	sshrl.u32 s26, $0x3  }
0x2e: {  	s28 =	sadd.s32 s1, s26  }
0x2f: {  	[tilespmem:s11], [sflag:$0x2] =	stream.linear.gather [hbm4b:s28+s2], $0x7D0, $0x38;
	[tilespmem:$0x7F00] =	vst v63  }
0x30: {  	s28 =	sadd.s32 s4, s26  }
0x31: {  	[tilespmem:s12], [sflag:$0x2] =	stream.linear.gather [hbm4b:s28+s2], $0x7D0, $0x38;
	[tilespmem:$0x7F00] =	vst v63  }
0x32: {  	s26 =	sadd.s32 s5, s26  }
0x33: {  	[tilespmem:s13], [sflag:$0x2] =	stream.linear.gather [hbm4b:s26+s2], $0x7D0, $0x38;
	[tilespmem:$0x7F00] =	vst v63  }
0x34: {  	_ =	swait.ge [sflag:s14], $0x7D0  }
0x35: {  	[sflag:s14] =	ssyncset.done $0x0  }
0x36: {  	[sflag:s14] =	ssyncadd.s32 $0xFFFFF830  }
0x37: {  	_ =	swait.ge [sflag:s14], $0x7D0  }
0x38: {  	[sflag:s14] =	ssyncset.done $0x0  }
0x39: {  	[sflag:s14] =	ssyncadd.s32 $0xFFFFF830  }
0x3a: {  	_ =	swait.ge [sflag:s14], $0x7D0  }
0x3b: {  	[sflag:s14] =	ssyncset.done $0x0  }
0x3c: {  	s28 =	simm.s32 $0x40;
	[sflag:s14] =	ssyncadd.s32 $0xFFFFF830  }
0x3d: {  	s26 =	simm.s32 $0x1040;
	v11 =	vld [tilespmem:s28+$0xFFFFFFC0]  }
0x3e: {  	s29 =	simm.s32 $0x840;
	v7 =	vld [tilespmem:s26+$0xFFFFFFC0]  }
0x3f: {  	v3 =	vld [tilespmem:s29+$0x30]  }
0x40: {  	v6 =	vld [tilespmem:s26+$0xFFFFFFD0]  }
0x41: {  	v4 =	vld [tilespmem:s29+$0x20]  }
0x42: {  	v5 =	vld [tilespmem:s28+$0x30]  }
0x43: {  	v9 =	vld [tilespmem:s26+$0xFFFFFFF0]  }
0x44: {  	v12 =	vld [tilespmem:s28+$0x20]  }
0x45: {  	v14 =	vld [tilespmem:s29+$0x10]  }
0x46: {  	v16 =	vld [tilespmem:s28+$0x10]  }
0x47: {  	v18 =	vld [tilespmem:s29+$0x0]  }
0x48: {  	v21 =	vld [tilespmem:s28+$0x0];
	v3 =	vsub.f32 v3, v5  }
0x49: {  	v22 =	vld [tilespmem:s29+$0xFFFFFFE0]  }
0x4a: {  	v25 =	vld [tilespmem:s28+$0xFFFFFFE0];
	v5 =	vsub.f32 $0.0e+00, v3  }
0x4b: {  	v24 =	vld [tilespmem:s29+$0xFFFFFFC0]  }
0x4c: {  	v8 =	vld [tilespmem:s26+$0xFFFFFFE0];
	v5 =	vmin.f32 v3, v5  }
0x4d: {  	v13 =	vld [tilespmem:s26+$0x0];
	v20 =	vsub.f32 v4, v12;
	v12 =	vmul.f32 $1.442695020e+00, v5  }
0x4e: {  	v15 =	vld [tilespmem:s29+$0xFFFFFFF0];
	v10 =	vadd.s32 v10, v7;
	v4 =	vcvt.s32.f32 v9  }
0x4f: {  	v19 =	vld [tilespmem:s29+$0xFFFFFFD0];
	v18 =	vsub.f32 v18, v21;
	v22 =	vsub.f32 v22, v25;
	(erf) = vpow2.f32 v12  }
0x50: {  	v23 =	vld [tilespmem:s28+$0xFFFFFFF0];
	v21 =	vsub.f32 v24, v11;
	v10 =	vadd.s32 v6, v10;
	v5 =	vsub.f32 v14, v16  }
0x51: {  	v28 =	vld [tilespmem:s26+$0x10];
	v6 =	vcvt.s32.f32 v6;
	v10 =	vadd.s32 v8, v10;
	v27 =	vsub.f32 $0.0e+00, v18  }
0x52: {  	v8 =	vcvt.s32.f32 v8;
	v14 =	vsub.f32 $0.0e+00, v20;
	v12 =	vld [tilespmem:s28+$0xFFFFFFD0];
	v16 =	vsub.f32 $0.0e+00, v5  }
0x53: {  	v10 =	vadd.s32 v9, v10;
	v9 =	vcvt.s32.f32 v7;
	v7 =	vcvt.s32.f32 v13  }
0x54: {  	v11 =	vmin.f32 v18, v27;
	v14 =	vmin.f32 v20, v14;
	v16 =	vmin.f32 v5, v16  }
0x55: {  	v26 =	vmul.f32 $1.442695020e+00, v14;
	v14 =	vsub.f32 v15, v23;
	v15 =	vmul.f32 $1.442695020e+00, v16  }
0x56: {  	v10 =	vadd.s32 v13, v10;
	v13 =	vcvt.s32.f32 v28;
	v25 =	vmul.f32 $1.442695020e+00, v11  }
0x57: {  	v16 =	vsub.f32 $0.0e+00, v22;
	v12 =	vsub.f32 v19, v12;
	(erf) = vpow2.f32 v15  }
0x58: {  	v19 =	vsub.f32 $0.0e+00, v14;
	v15 =	vsub.f32 $0.0e+00, v21;
	(erf) = vpow2.f32 v26;
	v11 =	vpop (erf)  }
0x59: {  	v16 =	vmin.f32 v22, v16;
	v26 =	vmul.f32 v9, v21;
	v27 =	vmul.f32 $6.074752660e-03, v11  }
0x5a: {  	v16 =	vmul.f32 $1.442695020e+00, v16;
	v24 =	vmul.f32 v6, v12;
	v19 =	vmin.f32 v14, v19  }
0x5b: {  	v17 =	vadd.f32 v26, v17;
	(erf) = vpow2.f32 v25;
	v25 =	vsub.f32 $3.441791240e-02, v27  }
0x5c: {  	v23 =	vsub.f32 $0.0e+00, v12;
	v15 =	vmin.f32 v21, v15;
	v19 =	vmul.f32 $1.442695020e+00, v19  }
0x5d: {  	v17 =	vadd.f32 v24, v17;
	v24 =	vmul.f32 v8, v22;
	v25 =	vmul.f32 v25, v11  }
0x5e: {  	v10 =	vadd.s32 v28, v10;
	v15 =	vmul.f32 $1.442695020e+00, v15;
	v26 =	vmul.f32 v4, v14  }
0x5f: {  	v23 =	vmin.f32 v12, v23;
	(erf) = vpow2.f32 v16;
	v27 =	vld [tilespmem:s26+$0x20];
	v24 =	vadd.f32 v24, v17  }
0x60: {  	v23 =	vmul.f32 $1.442695020e+00, v23;
	(erf) = vpow2.f32 v19;
	v19 =	vadd.f32 $-9.231230610e-02, v25  }
0x61: {  	v30 =	vld [tilespmem:s26+$0x30];
	v16 =	vmax.f32 v18, $0.0e+00;
	v18 =	vmul.f32 v7, v18;
	v24 =	vadd.f32 v26, v24;
	v25 =	vpop (erf)  }
0x62: {  	v22 =	vmax.f32 v22, $0.0e+00;
	(erf) = vpow2.f32 v15;
	v19 =	vmul.f32 v19, v11;
	v17 =	vpop (erf)  }
0x63: {  	v18 =	vadd.f32 v18, v24;
	v29 =	vmul.f32 $6.074752660e-03, v25;
	v28 =	vmul.f32 $6.074752660e-03, v17  }
0x64: {  	v10 =	vadd.s32 v27, v10;
	(erf) = vpow2.f32 v23;
	v19 =	vadd.f32 $1.647818830e-01, v19  }
0x65: {  	v15 =	vcvt.s32.f32 v27;
	v26 =	vsub.f32 $3.441791240e-02, v29;
	v28 =	vsub.f32 $3.441791240e-02, v28  }
0x66: {  	v10 =	vadd.s32 v30, v10;
	v23 =	vmul.f32 v13, v5;
	v32 =	vmul.f32 v19, v11  }
0x67: {  	v24 =	vmul.f32 v15, v20;
	v20 =	vmax.f32 v20, $0.0e+00;
	v29 =	vpop (erf);
	v26 =	vmul.f32 v26, v25  }
0x68: {  	v18 =	vadd.f32 v23, v18;
	v27 =	vpop (erf);
	v23 =	vmul.f32 v28, v17;
	v32 =	vadd.f32 $-2.391897290e-01, v32  }
0x69: {  	v31 =	vmul.f32 $6.074752660e-03, v27;
	v19 =	vadd.f32 $-9.231230610e-02, v26;
	v26 =	vmul.f32 $6.074752660e-03, v29;
	v28 =	vpop (erf)  }
0x6a: {  	v18 =	vadd.f32 v24, v18;
	v32 =	vmul.f32 v32, v11;
	v33 =	vmul.f32 $6.074752660e-03, v28  }
0x6b: {  	v31 =	vsub.f32 $3.441791240e-02, v31;
	v34 =	vmul.f32 v19, v25;
	v19 =	vcvt.s32.f32 v30;
	v30 =	vpop (erf)  }
0x6c: {  	v23 =	vadd.f32 $-9.231230610e-02, v23;
	v26 =	vsub.f32 $3.441791240e-02, v26;
	v35 =	vmul.f32 $6.074752660e-03, v30  }
0x6d: {  	v24 =	vpop (erf);
	v32 =	vadd.f32 $3.313336670e-01, v32;
	v31 =	vmul.f32 v31, v27;
	v33 =	vsub.f32 $3.441791240e-02, v33  }
0x6e: {  	v34 =	vadd.f32 $1.647818830e-01, v34;
	v26 =	vmul.f32 v26, v29;
	v36 =	vmul.f32 $6.074752660e-03, v24  }
0x6f: {  	v35 =	vsub.f32 $3.441791240e-02, v35;
	v31 =	vadd.f32 $-9.231230610e-02, v31;
	v33 =	vmul.f32 v33, v28  }
0x70: {  	v26 =	vadd.f32 $-9.231230610e-02, v26;
	v34 =	vmul.f32 v34, v25;
	v36 =	vsub.f32 $3.441791240e-02, v36  }
0x71: {  	v35 =	vmul.f32 v35, v30;
	v31 =	vmul.f32 v31, v27;
	v33 =	vadd.f32 $-9.231230610e-02, v33  }
0x72: {  	v26 =	vmul.f32 v26, v29;
	v34 =	vadd.f32 $-2.391897290e-01, v34;
	v36 =	vmul.f32 v36, v24  }
0x73: {  	v35 =	vadd.f32 $-9.231230610e-02, v35;
	v31 =	vadd.f32 $1.647818830e-01, v31;
	v33 =	vmul.f32 v33, v28  }
0x74: {  	v26 =	vadd.f32 $1.647818830e-01, v26;
	v34 =	vmul.f32 v34, v25;
	v36 =	vadd.f32 $-9.231230610e-02, v36  }
0x75: {  	v35 =	vmul.f32 v35, v30;
	v31 =	vmul.f32 v31, v27;
	v33 =	vadd.f32 $1.647818830e-01, v33  }
0x76: {  	v26 =	vmul.f32 v26, v29;
	v34 =	vadd.f32 $3.313336670e-01, v34;
	v36 =	vmul.f32 v36, v24  }
0x77: {  	v35 =	vadd.f32 $1.647818830e-01, v35;
	v31 =	vadd.f32 $-2.391897290e-01, v31;
	v33 =	vmul.f32 v33, v28  }
0x78: {  	v26 =	vadd.f32 $-2.391897290e-01, v26;
	v34 =	vmul.f32 v34, v25;
	v36 =	vadd.f32 $1.647818830e-01, v36  }
0x79: {  	v35 =	vmul.f32 v35, v30;
	v31 =	vmul.f32 v31, v27;
	v33 =	vadd.f32 $-2.391897290e-01, v33  }
0x7a: {  	v26 =	vmul.f32 v26, v29;
	v34 =	vadd.f32 $-4.998010990e-01, v34;
	v36 =	vmul.f32 v36, v24  }
0x7b: {  	v35 =	vadd.f32 $-2.391897290e-01, v35;
	v31 =	vadd.f32 $3.313336670e-01, v31;
	v33 =	vmul.f32 v33, v28  }
0x7c: {  	v26 =	vadd.f32 $3.313336670e-01, v26;
	v34 =	vmul.f32 v34, v25;
	v36 =	vadd.f32 $-2.391897290e-01, v36  }
0x7d: {  	v35 =	vmul.f32 v35, v30;
	v31 =	vmul.f32 v31, v27;
	v33 =	vadd.f32 $3.313336670e-01, v33  }
0x7e: {  	v26 =	vmul.f32 v26, v29;
	v34 =	vadd.f32 $9.999914760e-01, v34;
	v36 =	vmul.f32 v36, v24  }
0x7f: {  	v23 =	vmul.f32 v23, v17;
	v35 =	vadd.f32 $3.313336670e-01, v35;
	v31 =	vadd.f32 $-4.998010990e-01, v31  }
0x80: {  	v37 =	vadd.f32 $-4.998010990e-01, v26;
	v25 =	vmul.f32 v34, v25;
	v26 =	vadd.f32 $3.313336670e-01, v36  }
0x81: {  	v59 =	vadd.f32 $1.647818830e-01, v23;
	v35 =	vmul.f32 v35, v30;
	v31 =	vmul.f32 v31, v27  }
0x82: {  	v33 =	vmul.f32 v33, v28;
	v23 =	vadd.f32 $9.099033340e-08, v25;
	v25 =	vmul.f32 v26, v24  }
0x83: {  	v60 =	vadd.f32 $-4.998010990e-01, v35;
	v26 =	vadd.f32 $9.999914760e-01, v31;
	v31 =	vmul.f32 v59, v17  }
0x84: {  	v33 =	vadd.f32 $-4.998010990e-01, v33;
	v62 =	vmul.f32 v37, v29;
	v25 =	vadd.f32 $-4.998010990e-01, v25  }
0x85: {  	v26 =	vmul.f32 v26, v27;
	v27 =	vadd.f32 $-2.391897290e-01, v31;
	v31 =	vmul.f32 v60, v30  }
0x86: {  	v61 =	vmul.f32 v19, v3;
	v32 =	vmul.f32 v32, v11;
	v34 =	vadd.f32 $9.999914760e-01, v62  }
0x87: {  	v33 =	vmul.f32 v33, v28;
	v25 =	vmul.f32 v25, v24;
	v31 =	vadd.f32 $9.999914760e-01, v31  }
0x88: {  	v18 =	vadd.f32 v61, v18;
	v29 =	vmul.f32 v34, v29;
	v27 =	vmul.f32 v27, v17  }
0x89: {  	v26 =	vadd.f32 $9.099033340e-08, v26;
	v25 =	vadd.f32 $9.999914760e-01, v25;
	v30 =	vmul.f32 v31, v30  }
0x8a: {  	v31 =	vadd.f32 $9.999914760e-01, v33;
	v63 =	vadd.f32 $3.313336670e-01, v27;
	v27 =	vmax.f32 v21, $0.0e+00  }
0x8b: {  	v24 =	vmul.f32 v25, v24;
	v25 =	vadd.f32 $-4.998010990e-01, v32;
	v30 =	vadd.f32 $9.099033340e-08, v30  }
0x8c: {  	s30 =	simm.s32 $0x8C0;
	s29 =	simm.s32 $0xC0;
	s28 =	simm.s32 $0x0;
	v21 =	vmul.f32 v31, v28;
	v28 =	vadd.f32 $9.099033340e-08, v29;
	v29 =	vmul.f32 v63, v17  }
.LBB2_4:
0x8d: {  	v31 =	vld [tilespmem:s29+$0xFFFFFFC0];
	s28 =	sadd.s32 $0x8, s28;
	v27 =	vadd.f32 v30, v27;
	v22 =	vadd.f32 v26, v22;
	v14 =	vmax.f32 v14, $0.0e+00;
	s26 =	sadd.s32 $0x80, s26  }
0x8e: {  	v26 =	vld [tilespmem:s26+$0x0];
	p0 =	slt.u32 s28, $0x70;
	v16 =	vadd.f32 v28, v16;
	v28 =	vadd.f32 $-4.998010990e-01, v29;
	v25 =	vmul.f32 v25, v11  }
0x8f: {  	v21 =	vadd.f32 $9.099033340e-08, v21;
	v29 =	vld [tilespmem:s26+$0xFFFFFFC0];
	v1 =	vadd.f32 v27, v1;
	v8 =	vmul.f32 v8, v22  }
0x90: {  	v24 =	vadd.f32 $9.099033340e-08, v24;
	v9 =	vmul.f32 v9, v27;
	v30 =	vld [tilespmem:s26+$0xFFFFFFE0];
	v25 =	vadd.f32 $9.999914760e-01, v25  }
0x91: {  	v12 =	vmax.f32 v12, $0.0e+00;
	v14 =	vadd.f32 v21, v14;
	v21 =	vmul.f32 v28, v17;
	v27 =	vld [tilespmem:s30+$0x30]  }
0x92: {  	v2 =	vadd.f32 v9, v2;
	v9 =	vadd.f32 v24, v12;
	v28 =	vld [tilespmem:s26+$0xFFFFFFD0];
	v11 =	vmul.f32 v25, v11  }
0x93: {  	v3 =	vmax.f32 v3, $0.0e+00;
	v4 =	vmul.f32 v4, v14;
	v21 =	vadd.f32 $9.999914760e-01, v21;
	v12 =	vld [tilespmem:s30+$0x20]  }
0x94: {  	v5 =	vmax.f32 v5, $0.0e+00;
	v7 =	vmul.f32 v7, v16;
	v6 =	vmul.f32 v6, v9;
	v24 =	vld [tilespmem:s29+$0x30]  }
0x95: {  	v1 =	vadd.f32 v9, v1;
	v9 =	vmul.f32 v21, v17;
	v11 =	vadd.f32 $9.099033340e-08, v11;
	v25 =	vld [tilespmem:s26+$0xFFFFFFF0]  }
0x96: {  	v5 =	vadd.f32 v23, v5;
	v10 =	vadd.s32 v10, v29;
	v2 =	vadd.f32 v6, v2;
	v17 =	vld [tilespmem:s29+$0x20]  }
0x97: {  	v1 =	vadd.f32 v22, v1;
	v11 =	vadd.f32 v11, v3;
	v6 =	vadd.s32 v28, v10;
	v10 =	vld [tilespmem:s30+$0x10]  }
0x98: {  	v13 =	vmul.f32 v13, v5;
	v2 =	vadd.f32 v8, v2;
	v8 =	vadd.f32 $9.099033340e-08, v9;
	v21 =	vld [tilespmem:s30+$0xFFFFFFF0]  }
0x99: {  	v1 =	vadd.f32 v14, v1;
	v14 =	vmul.f32 v19, v11;
	v9 =	vld [tilespmem:s29+$0x10];
	v3 =	vsub.f32 v27, v24  }
0x9a: {  	v6 =	vadd.s32 v30, v6;
	v2 =	vadd.f32 v4, v2;
	v22 =	vadd.f32 v8, v20;
	v19 =	vld [tilespmem:s30+$0x0]  }
0x9b: {  	v1 =	vadd.f32 v16, v1;
	v24 =	vadd.s32 v25, v6;
	v23 =	vld [tilespmem:s30+$0xFFFFFFD0];
	v6 =	vsub.f32 $0.0e+00, v3  }
0x9c: {  	v4 =	vcvt.s32.f32 v25;
	v20 =	vsub.f32 v12, v17;
	v12 =	vmul.f32 v15, v22;
	v16 =	vld [tilespmem:s29+$0x0]  }
0x9d: {  	v2 =	vadd.f32 v7, v2;
	v1 =	vadd.f32 v5, v1;
	v15 =	vld [tilespmem:s30+$0xFFFFFFE0];
	v8 =	vmin.f32 v3, v6  }
0x9e: {  	v6 =	vcvt.s32.f32 v28;
	v17 =	vld [tilespmem:s29+$0xFFFFFFF0];
	v5 =	vsub.f32 v10, v9;
	v7 =	vmul.f32 $1.442695020e+00, v8  }
0x9f: {  	v2 =	vadd.f32 v13, v2;
	v9 =	vcvt.s32.f32 v29;
	v8 =	vcvt.s32.f32 v30;
	v10 =	vld [tilespmem:s30+$0xFFFFFFC0]  }
0xa0: {  	v25 =	vsub.f32 $0.0e+00, v20;
	v1 =	vadd.f32 v22, v1;
	v13 =	vld [tilespmem:s29+$0xFFFFFFE0];
	(erf) = vpow2.f32 v7  }
0xa1: {  	v24 =	vadd.s32 v26, v24;
	v2 =	vadd.f32 v12, v2;
	v27 =	vld [tilespmem:s29+$0xFFFFFFD0];
	v19 =	vsub.f32 v19, v16  }
0xa2: {  	v1 =	vadd.f32 v11, v1;
	v12 =	vsub.f32 $0.0e+00, v5;
	v16 =	vmin.f32 v20, v25  }
0xa3: {  	v7 =	vcvt.s32.f32 v26;
	v2 =	vadd.f32 v14, v2;
	v11 =	vmul.f32 $1.442695020e+00, v16  }
0xa4: {  	v12 =	vmin.f32 v5, v12;
	v25 =	vsub.f32 $0.0e+00, v19;
	v16 =	vmax.f32 v19, $0.0e+00  }
0xa5: {  	v14 =	vsub.f32 v21, v17;
	v22 =	vsub.f32 v15, v13;
	v13 =	vmul.f32 $1.442695020e+00, v12  }
0xa6: {  	v21 =	vsub.f32 v10, v31;
	v10 =	vmin.f32 v19, v25;
	v12 =	vsub.f32 v23, v27  }
0xa7: {  	v17 =	vsub.f32 $0.0e+00, v14;
	v15 =	vsub.f32 $0.0e+00, v22;
	(erf) = vpow2.f32 v13  }
0xa8: {  	v13 =	vsub.f32 $0.0e+00, v21;
	v23 =	vsub.f32 $0.0e+00, v12;
	(erf) = vpow2.f32 v11  }
0xa9: {  	v10 =	vmul.f32 $1.442695020e+00, v10;
	v17 =	vmin.f32 v14, v17;
	v25 =	vmul.f32 v6, v12;
	v11 =	vpop (erf)  }
0xaa: {  	v26 =	vmul.f32 v9, v21;
	v15 =	vmin.f32 v22, v15;
	v27 =	vmul.f32 $6.074752660e-03, v11  }
0xab: {  	v17 =	vmul.f32 $1.442695020e+00, v17;
	v13 =	vmin.f32 v21, v13;
	v15 =	vmul.f32 $1.442695020e+00, v15;
	v28 =	vld [tilespmem:s26+$0x10]  }
0xac: {  	v23 =	vmin.f32 v12, v23;
	v27 =	vsub.f32 $3.441791240e-02, v27;
	(erf) = vpow2.f32 v10  }
0xad: {  	v10 =	vmul.f32 $1.442695020e+00, v13;
	v13 =	vadd.f32 v26, v18;
	(erf) = vpow2.f32 v15  }
0xae: {  	v23 =	vmul.f32 $1.442695020e+00, v23;
	v15 =	vmul.f32 v27, v11  }
0xaf: {  	v26 =	vmul.f32 v8, v22;
	v25 =	vadd.f32 v25, v13;
	v27 =	vmul.f32 v4, v14;
	v29 =	vld [tilespmem:s26+$0x20]  }
0xb0: {  	v13 =	vcvt.s32.f32 v28;
	v15 =	vadd.f32 $-9.231230610e-02, v15;
	(erf) = vpow2.f32 v17;
	v18 =	vpop (erf)  }
0xb1: {  	v19 =	vmul.f32 v7, v19;
	v25 =	vadd.f32 v26, v25;
	v26 =	vmul.f32 $6.074752660e-03, v18;
	v17 =	vpop (erf)  }
0xb2: {  	v24 =	vadd.s32 v28, v24;
	v28 =	vmul.f32 $6.074752660e-03, v17;
	v30 =	vld [tilespmem:s26+$0x30];
	(erf) = vpow2.f32 v10  }
0xb3: {  	v10 =	vadd.f32 v27, v25;
	v25 =	vmul.f32 v13, v5;
	v27 =	vmul.f32 v15, v11  }
0xb4: {  	v26 =	vsub.f32 $3.441791240e-02, v26;
	v15 =	vcvt.s32.f32 v29;
	(erf) = vpow2.f32 v23  }
0xb5: {  	v23 =	vsub.f32 $3.441791240e-02, v28;
	v28 =	vadd.s32 v29, v24;
	v27 =	vadd.f32 $1.647818830e-01, v27;
	v24 =	vpop (erf)  }
0xb6: {  	v19 =	vadd.f32 v19, v10;
	v26 =	vmul.f32 v26, v18;
	v29 =	vmul.f32 v15, v20;
	v31 =	vpop (erf)  }
0xb7: {  	v27 =	vmul.f32 v27, v11;
	v32 =	vmul.f32 $6.074752660e-03, v31;
	v10 =	vadd.s32 v30, v28  }
0xb8: {  	v26 =	vadd.f32 $-9.231230610e-02, v26;
	v28 =	vadd.f32 v25, v19;
	v19 =	vmul.f32 v23, v17  }
0xb9: {  	v23 =	vmul.f32 $6.074752660e-03, v24;
	v25 =	vpop (erf)  }
0xba: {  	v32 =	vsub.f32 $3.441791240e-02, v32;
	v26 =	vmul.f32 v26, v18;
	v33 =	vmul.f32 $6.074752660e-03, v25  }
0xbb: {  	v23 =	vsub.f32 $3.441791240e-02, v23;
	v34 =	vadd.f32 $-9.231230610e-02, v19;
	v19 =	vcvt.s32.f32 v30;
	v30 =	vpop (erf)  }
0xbc: {  	v32 =	vmul.f32 v32, v31;
	v26 =	vadd.f32 $1.647818830e-01, v26;
	v33 =	vsub.f32 $3.441791240e-02, v33  }
0xbd: {  	v28 =	vadd.f32 v29, v28;
	v23 =	vmul.f32 v23, v24;
	v35 =	vmul.f32 $6.074752660e-03, v30;
	v29 =	vpop (erf)  }
0xbe: {  	v32 =	vadd.f32 $-9.231230610e-02, v32;
	v36 =	vmul.f32 $6.074752660e-03, v29;
	v33 =	vmul.f32 v33, v25  }
0xbf: {  	v23 =	vadd.f32 $-9.231230610e-02, v23;
	v26 =	vmul.f32 v26, v18;
	v35 =	vsub.f32 $3.441791240e-02, v35  }
0xc0: {  	v32 =	vmul.f32 v32, v31;
	v36 =	vsub.f32 $3.441791240e-02, v36;
	v33 =	vadd.f32 $-9.231230610e-02, v33  }
0xc1: {  	v23 =	vmul.f32 v23, v24;
	v26 =	vadd.f32 $-2.391897290e-01, v26;
	v35 =	vmul.f32 v35, v30  }
0xc2: {  	v32 =	vadd.f32 $1.647818830e-01, v32;
	v36 =	vmul.f32 v36, v29;
	v33 =	vmul.f32 v33, v25  }
0xc3: {  	v23 =	vadd.f32 $1.647818830e-01, v23;
	v26 =	vmul.f32 v26, v18;
	v35 =	vadd.f32 $-9.231230610e-02, v35  }
0xc4: {  	v32 =	vmul.f32 v32, v31;
	v36 =	vadd.f32 $-9.231230610e-02, v36;
	v33 =	vadd.f32 $1.647818830e-01, v33  }
0xc5: {  	v23 =	vmul.f32 v23, v24;
	v26 =	vadd.f32 $3.313336670e-01, v26;
	v35 =	vmul.f32 v35, v30  }
0xc6: {  	v32 =	vadd.f32 $-2.391897290e-01, v32;
	v36 =	vmul.f32 v36, v29;
	v33 =	vmul.f32 v33, v25  }
0xc7: {  	v23 =	vadd.f32 $-2.391897290e-01, v23;
	v26 =	vmul.f32 v26, v18;
	v35 =	vadd.f32 $1.647818830e-01, v35  }
0xc8: {  	v32 =	vmul.f32 v32, v31;
	v36 =	vadd.f32 $1.647818830e-01, v36;
	v33 =	vadd.f32 $-2.391897290e-01, v33  }
0xc9: {  	v23 =	vmul.f32 v23, v24;
	v26 =	vadd.f32 $-4.998010990e-01, v26;
	v35 =	vmul.f32 v35, v30  }
0xca: {  	v32 =	vadd.f32 $3.313336670e-01, v32;
	v36 =	vmul.f32 v36, v29;
	v33 =	vmul.f32 v33, v25  }
0xcb: {  	v23 =	vadd.f32 $3.313336670e-01, v23;
	v26 =	vmul.f32 v26, v18;
	v35 =	vadd.f32 $-2.391897290e-01, v35  }
0xcc: {  	v32 =	vmul.f32 v32, v31;
	v36 =	vadd.f32 $-2.391897290e-01, v36;
	v33 =	vadd.f32 $3.313336670e-01, v33  }
0xcd: {  	v23 =	vmul.f32 v23, v24;
	v26 =	vadd.f32 $9.999914760e-01, v26;
	v35 =	vmul.f32 v35, v30  }
0xce: {  	v34 =	vmul.f32 v34, v17;
	v32 =	vadd.f32 $-4.998010990e-01, v32;
	v36 =	vmul.f32 v36, v29  }
0xcf: {  	v37 =	vadd.f32 $-4.998010990e-01, v23;
	v18 =	vmul.f32 v26, v18;
	v35 =	vadd.f32 $3.313336670e-01, v35  }
0xd0: {  	v34 =	vadd.f32 $1.647818830e-01, v34;
	v32 =	vmul.f32 v32, v31;
	v26 =	vadd.f32 $3.313336670e-01, v36  }
0xd1: {  	v33 =	vmul.f32 v33, v25;
	v23 =	vadd.f32 $9.099033340e-08, v18;
	v35 =	vmul.f32 v35, v30  }
0xd2: {  	v18 =	vmul.f32 v26, v29;
	v26 =	vadd.f32 $9.999914760e-01, v32;
	v32 =	vmul.f32 v34, v17  }
0xd3: {  	v27 =	vadd.f32 $-2.391897290e-01, v27;
	v34 =	vadd.f32 $-4.998010990e-01, v35;
	v35 =	vmul.f32 v19, v3  }
0xd4: {  	v18 =	vadd.f32 $-4.998010990e-01, v18;
	v26 =	vmul.f32 v26, v31;
	v31 =	vadd.f32 $-2.391897290e-01, v32  }
0xd5: {  	v27 =	vmul.f32 v27, v11;
	v33 =	vadd.f32 $-4.998010990e-01, v33;
	v32 =	vmul.f32 v34, v30  }
0xd6: {  	v34 =	vmul.f32 v37, v24;
	v26 =	vadd.f32 $9.099033340e-08, v26;
	v31 =	vmul.f32 v31, v17  }
0xd7: {  	v32 =	vadd.f32 $9.999914760e-01, v32;
	v36 =	vmul.f32 v18, v29;
	v18 =	vadd.f32 v35, v28  }
0xd8: {  	v22 =	vmax.f32 v22, $0.0e+00;
	v28 =	vmul.f32 v33, v25;
	v33 =	vadd.f32 $9.999914760e-01, v34  }
.Ltmp4:
0xd9: {  	v20 =	vmax.f32 v20, $0.0e+00;
	v35 =	vadd.f32 $3.313336670e-01, v27;
	v34 =	vadd.f32 $9.999914760e-01, v36;
	(pc) =	sbr.rel @p0 .LBB2_4-.Ltmp4, $4  }
0xda: {  	v30 =	vmul.f32 v32, v30;
	v28 =	vadd.f32 $9.999914760e-01, v28;
	v31 =	vadd.f32 $3.313336670e-01, v31  }
0xdb: {  	v27 =	vmax.f32 v21, $0.0e+00;
	v32 =	vmul.f32 v33, v24;
	v33 =	vmul.f32 v35, v11  }
0xdc: {  	v30 =	vadd.f32 $9.099033340e-08, v30;
	v24 =	vmul.f32 v34, v29;
	v21 =	vmul.f32 v28, v25  }
0xdd: {  	s30 =	sadd.s32 $0x80, s30;
	s29 =	sadd.s32 $0x80, s29;
	v28 =	vadd.f32 $9.099033340e-08, v32;
	v29 =	vmul.f32 v31, v17;
	v25 =	vadd.f32 $-4.998010990e-01, v33  }
0xde: {  	v27 =	vadd.f32 v30, v27;
	v24 =	vadd.f32 $9.099033340e-08, v24  }
0xdf: {  	v22 =	vadd.f32 v26, v22;
	v12 =	vmax.f32 v12, $0.0e+00;
	v21 =	vadd.f32 $9.099033340e-08, v21  }
0xe0: {  	v59 =	vadd.f32 $-4.998010990e-01, v29;
	v9 =	vmul.f32 v9, v27;
	v12 =	vadd.f32 v24, v12  }
0xe1: {  	v14 =	vmax.f32 v14, $0.0e+00;
	v16 =	vadd.f32 v28, v16;
	v1 =	vadd.f32 v27, v1  }
0xe2: {  	v60 =	vmul.f32 v59, v17;
	v2 =	vadd.f32 v9, v2;
	v6 =	vmul.f32 v6, v12  }
0xe3: {  	v14 =	vadd.f32 v21, v14;
	v9 =	vmul.f32 v25, v11;
	v1 =	vadd.f32 v12, v1  }
0xe4: {  	v8 =	vmul.f32 v8, v22;
	v61 =	vadd.f32 $9.999914760e-01, v60;
	v2 =	vadd.f32 v6, v2  }
0xe5: {  	v5 =	vmax.f32 v5, $0.0e+00;
	v62 =	vadd.f32 $9.999914760e-01, v9;
	v1 =	vadd.f32 v22, v1  }
0xe6: {  	v4 =	vmul.f32 v4, v14;
	v9 =	vmul.f32 v61, v17;
	v2 =	vadd.f32 v8, v2  }
0xe7: {  	v5 =	vadd.f32 v23, v5;
	v6 =	vmul.f32 v62, v11;
	v1 =	vadd.f32 v14, v1  }
0xe8: {  	v7 =	vmul.f32 v7, v16;
	v8 =	vadd.f32 $9.099033340e-08, v9;
	v2 =	vadd.f32 v4, v2  }
0xe9: {  	v3 =	vmax.f32 v3, $0.0e+00;
	v4 =	vadd.f32 $9.099033340e-08, v6;
	v1 =	vadd.f32 v16, v1  }
0xea: {  	v63 =	vadd.f32 v8, v20;
	v8 =	vmul.f32 v13, v5;
	v2 =	vadd.f32 v7, v2  }
0xeb: {  	v3 =	vadd.f32 v4, v3  }
0xec: {  	v1 =	vadd.f32 v5, v1;
	v4 =	vmul.f32 v15, v63;
	v2 =	vadd.f32 v8, v2;
	_ =	sdelay $0x1  }
0xed: {  	v5 =	vmul.f32 v19, v3;
	v1 =	vadd.f32 v63, v1;
	v2 =	vadd.f32 v4, v2;
	_ =	sdelay $0x1  }
0xee: {  	s26 =	simm.s32 $0x0;
	v3 =	vadd.f32 v3, v1;
	v1 =	vadd.f32 v5, v2  }
.LBB2_6:
0xef: {  	s28 =	sshra.s32 s26, $0x2  }
0xf0: {  	v2 =	vld [tilespmem:s28+$0x780]  }
0xf1: {  	v4 =	vld [tilespmem:s28+$0xF80];
	_ =	sdelay $0x4  }
0xf2: {  	v2 =	vsub.f32 v4, v2;
	_ =	sdelay $0x1  }
0xf3: {  	v4 =	vsub.f32 $0.0e+00, v2;
	_ =	sdelay $0x1  }
0xf4: {  	v4 =	vmin.f32 v2, v4  }
0xf5: {  	v4 =	vmul.f32 $1.442695020e+00, v4;
	_ =	sdelay $0x1  }
0xf6: {  	(erf) = vpow2.f32 v4;
	_ =	sdelay $0x8  }
0xf7: {  	v4 =	vpop (erf)  }
0xf8: {  	v5 =	vmul.f32 $-6.074752660e-03, v4;
	_ =	sdelay $0x1  }
0xf9: {  	v5 =	vadd.f32 $3.441791240e-02, v5;
	_ =	sdelay $0x1  }
0xfa: {  	v5 =	vmul.f32 v5, v4;
	_ =	sdelay $0x1  }
0xfb: {  	v5 =	vadd.f32 $-9.231230610e-02, v5;
	_ =	sdelay $0x1  }
0xfc: {  	v5 =	vmul.f32 v5, v4;
	_ =	sdelay $0x1  }
0xfd: {  	v5 =	vadd.f32 $1.647818830e-01, v5;
	_ =	sdelay $0x1  }
0xfe: {  	v5 =	vmul.f32 v5, v4;
	_ =	sdelay $0x1  }
0xff: {  	v5 =	vadd.f32 $-2.391897290e-01, v5;
	_ =	sdelay $0x1  }
0x100: {  	v5 =	vmul.f32 v5, v4;
	_ =	sdelay $0x1  }
0x101: {  	v5 =	vadd.f32 $3.313336670e-01, v5;
	_ =	sdelay $0x1  }
0x102: {  	v5 =	vmul.f32 v5, v4;
	_ =	sdelay $0x1  }
0x103: {  	v5 =	vadd.f32 $-4.998010990e-01, v5;
	_ =	sdelay $0x1  }
0x104: {  	v5 =	vmul.f32 v5, v4;
	_ =	sdelay $0x1  }
0x105: {  	v6 =	vld [tilespmem:s28+$0x1780];
	v5 =	vadd.f32 $9.999914760e-01, v5;
	_ =	sdelay $0x1  }
0x106: {  	v4 =	vmul.f32 v5, v4;
	_ =	sdelay $0x1  }
0x107: {  	v4 =	vadd.f32 $9.099033340e-08, v4  }
0x108: {  	p0 =	sne.s32 s26, $0x100;
	v7 =	vcvt.s32.f32 v6;
	v5 =	vmax.f32 v2, $0.0e+00  }
.Ltmp5:
0x109: {  	v4 =	vadd.f32 v4, v5;
	(pc) =	sbr.rel @p0 .LBB2_6-.Ltmp5, $4  }
0x10a: {  	v2 =	vmul.f32 v7, v2  }
0x10b: {  	v5 =	vmul.f32 v7, v4  }
0x10c: {  	v18 =	vadd.f32 v2, v18  }
0x10d: {  	s26 =	sadd.s32 $0x40, s26;
	v10 =	vadd.s32 v10, v6;
	v3 =	vadd.f32 v4, v3;
	v1 =	vadd.f32 v5, v1  }
0x10e: {  	p0 =	seq.s32 s22, $0x4  }
0x10f: {  	s25 =	sadd.s32 @!p0 s25, s24  }
0x110: {  	s25 =	sshrl.u32 @!p0 s25, $0x3  }
0x111: {  	s28 =	simm.s32 @!p0 $0x0;
	s26 =	sadd.s32 @!p0 s1, s25  }
0x112: {  	[tilespmem:s28], [sflag:$0x1] =	stream.linear.gather @!p0 [hbm4b:s26+s28], $0x7D0, $0x38;
	[tilespmem:$0x7F00] =	vst v63  }
0x113: {  	s29 =	simm.s32 @!p0 $0x800;
	s26 =	sadd.s32 @!p0 s4, s25  }
0x114: {  	[tilespmem:s29], [sflag:$0x1] =	stream.linear.gather @!p0 [hbm4b:s26+s28], $0x7D0, $0x38;
	[tilespmem:$0x7F00] =	vst v63  }
0x115: {  	s25 =	sadd.s32 @!p0 s5, s25;
	s26 =	simm.s32 @!p0 $0x1000  }
0x116: {  	[tilespmem:s26], [sflag:$0x1] =	stream.linear.gather @!p0 [hbm4b:s25+s28], $0x7D0, $0x38;
	[tilespmem:$0x7F00] =	vst v63  }
0x117: {  	_ =	swait.ge [sflag:s15], $0x7D0  }
0x118: {  	[sflag:s15] =	ssyncset.done $0x0  }
0x119: {  	[sflag:s15] =	ssyncadd.s32 $0xFFFFF830  }
0x11a: {  	_ =	swait.ge [sflag:s15], $0x7D0  }
0x11b: {  	[sflag:s15] =	ssyncset.done $0x0  }
0x11c: {  	[sflag:s15] =	ssyncadd.s32 $0xFFFFF830  }
0x11d: {  	_ =	swait.ge [sflag:s15], $0x7D0  }
0x11e: {  	[sflag:s15] =	ssyncset.done $0x0  }
0x11f: {  	s31 =	simm.s32 $0x1840;
	[sflag:s15] =	ssyncadd.s32 $0xFFFFF830  }
0x120: {  	s25 =	simm.s32 $0x2840;
	v11 =	vld [tilespmem:s31+$0xFFFFFFC0]  }
0x121: {  	s28 =	simm.s32 $0x2040;
	v7 =	vld [tilespmem:s25+$0xFFFFFFC0]  }
0x122: {  	v2 =	vld [tilespmem:s28+$0x30]  }
0x123: {  	v6 =	vld [tilespmem:s25+$0xFFFFFFD0]  }
0x124: {  	v4 =	vld [tilespmem:s28+$0x20]  }
0x125: {  	v5 =	vld [tilespmem:s31+$0x30]  }
0x126: {  	v9 =	vld [tilespmem:s25+$0xFFFFFFF0]  }
0x127: {  	v12 =	vld [tilespmem:s31+$0x20]  }
0x128: {  	v14 =	vld [tilespmem:s28+$0x10]  }
0x129: {  	v16 =	vld [tilespmem:s31+$0x10]  }
0x12a: {  	v17 =	vld [tilespmem:s28+$0x0]  }
0x12b: {  	v21 =	vld [tilespmem:s31+$0x0];
	v2 =	vsub.f32 v2, v5  }
0x12c: {  	v22 =	vld [tilespmem:s28+$0xFFFFFFE0]  }
0x12d: {  	v25 =	vld [tilespmem:s31+$0xFFFFFFE0];
	v5 =	vsub.f32 $0.0e+00, v2  }
0x12e: {  	v24 =	vld [tilespmem:s28+$0xFFFFFFC0]  }
0x12f: {  	v8 =	vld [tilespmem:s25+$0xFFFFFFE0];
	v5 =	vmin.f32 v2, v5  }
0x130: {  	v13 =	vld [tilespmem:s25+$0x0];
	v20 =	vsub.f32 v4, v12;
	v12 =	vmul.f32 $1.442695020e+00, v5  }
0x131: {  	v15 =	vld [tilespmem:s28+$0xFFFFFFF0];
	v10 =	vadd.s32 v10, v7;
	v4 =	vcvt.s32.f32 v9  }
0x132: {  	v19 =	vld [tilespmem:s28+$0xFFFFFFD0];
	v17 =	vsub.f32 v17, v21;
	v22 =	vsub.f32 v22, v25;
	(erf) = vpow2.f32 v12  }
0x133: {  	v23 =	vld [tilespmem:s31+$0xFFFFFFF0];
	v21 =	vsub.f32 v24, v11;
	v10 =	vadd.s32 v6, v10;
	v5 =	vsub.f32 v14, v16  }
0x134: {  	v28 =	vld [tilespmem:s25+$0x10];
	v6 =	vcvt.s32.f32 v6;
	v10 =	vadd.s32 v8, v10;
	v27 =	vsub.f32 $0.0e+00, v17  }
0x135: {  	v8 =	vcvt.s32.f32 v8;
	v14 =	vsub.f32 $0.0e+00, v20;
	v12 =	vld [tilespmem:s31+$0xFFFFFFD0];
	v16 =	vsub.f32 $0.0e+00, v5  }
0x136: {  	v10 =	vadd.s32 v9, v10;
	v9 =	vcvt.s32.f32 v7;
	v7 =	vcvt.s32.f32 v13  }
0x137: {  	v11 =	vmin.f32 v17, v27;
	v14 =	vmin.f32 v20, v14;
	v16 =	vmin.f32 v5, v16  }
0x138: {  	v26 =	vmul.f32 $1.442695020e+00, v14;
	v14 =	vsub.f32 v15, v23;
	v15 =	vmul.f32 $1.442695020e+00, v16  }
0x139: {  	v10 =	vadd.s32 v13, v10;
	v13 =	vcvt.s32.f32 v28;
	v25 =	vmul.f32 $1.442695020e+00, v11  }
0x13a: {  	v16 =	vsub.f32 $0.0e+00, v22;
	v12 =	vsub.f32 v19, v12;
	(erf) = vpow2.f32 v15  }
0x13b: {  	v19 =	vsub.f32 $0.0e+00, v14;
	v15 =	vsub.f32 $0.0e+00, v21;
	(erf) = vpow2.f32 v26;
	v11 =	vpop (erf)  }
0x13c: {  	v16 =	vmin.f32 v22, v16;
	v26 =	vmul.f32 v9, v21;
	v27 =	vmul.f32 $6.074752660e-03, v11  }
0x13d: {  	v16 =	vmul.f32 $1.442695020e+00, v16;
	v24 =	vmul.f32 v6, v12;
	v19 =	vmin.f32 v14, v19  }
0x13e: {  	v18 =	vadd.f32 v26, v18;
	(erf) = vpow2.f32 v25;
	v25 =	vsub.f32 $3.441791240e-02, v27  }
0x13f: {  	v23 =	vsub.f32 $0.0e+00, v12;
	v15 =	vmin.f32 v21, v15;
	v19 =	vmul.f32 $1.442695020e+00, v19  }
0x140: {  	v18 =	vadd.f32 v24, v18;
	v24 =	vmul.f32 v8, v22;
	v25 =	vmul.f32 v25, v11  }
0x141: {  	v10 =	vadd.s32 v28, v10;
	v15 =	vmul.f32 $1.442695020e+00, v15;
	v26 =	vmul.f32 v4, v14  }
0x142: {  	v23 =	vmin.f32 v12, v23;
	(erf) = vpow2.f32 v16;
	v27 =	vld [tilespmem:s25+$0x20];
	v24 =	vadd.f32 v24, v18  }
0x143: {  	v23 =	vmul.f32 $1.442695020e+00, v23;
	(erf) = vpow2.f32 v19;
	v19 =	vadd.f32 $-9.231230610e-02, v25  }
0x144: {  	v30 =	vld [tilespmem:s25+$0x30];
	v16 =	vmax.f32 v17, $0.0e+00;
	v17 =	vmul.f32 v7, v17;
	v24 =	vadd.f32 v26, v24;
	v25 =	vpop (erf)  }
0x145: {  	v22 =	vmax.f32 v22, $0.0e+00;
	(erf) = vpow2.f32 v15;
	v19 =	vmul.f32 v19, v11;
	v18 =	vpop (erf)  }
0x146: {  	v17 =	vadd.f32 v17, v24;
	v29 =	vmul.f32 $6.074752660e-03, v25;
	v28 =	vmul.f32 $6.074752660e-03, v18  }
0x147: {  	v10 =	vadd.s32 v27, v10;
	(erf) = vpow2.f32 v23;
	v19 =	vadd.f32 $1.647818830e-01, v19  }
0x148: {  	v15 =	vcvt.s32.f32 v27;
	v26 =	vsub.f32 $3.441791240e-02, v29;
	v28 =	vsub.f32 $3.441791240e-02, v28  }
0x149: {  	v10 =	vadd.s32 v30, v10;
	v23 =	vmul.f32 v13, v5;
	v32 =	vmul.f32 v19, v11  }
0x14a: {  	v24 =	vmul.f32 v15, v20;
	v20 =	vmax.f32 v20, $0.0e+00;
	v29 =	vpop (erf);
	v26 =	vmul.f32 v26, v25  }
0x14b: {  	v17 =	vadd.f32 v23, v17;
	v27 =	vpop (erf);
	v23 =	vmul.f32 v28, v18;
	v32 =	vadd.f32 $-2.391897290e-01, v32  }
0x14c: {  	v31 =	vmul.f32 $6.074752660e-03, v27;
	v19 =	vadd.f32 $-9.231230610e-02, v26;
	v26 =	vmul.f32 $6.074752660e-03, v29;
	v28 =	vpop (erf)  }
0x14d: {  	v17 =	vadd.f32 v24, v17;
	v32 =	vmul.f32 v32, v11;
	v33 =	vmul.f32 $6.074752660e-03, v28  }
0x14e: {  	v31 =	vsub.f32 $3.441791240e-02, v31;
	v34 =	vmul.f32 v19, v25;
	v19 =	vcvt.s32.f32 v30;
	v30 =	vpop (erf)  }
0x14f: {  	v23 =	vadd.f32 $-9.231230610e-02, v23;
	v26 =	vsub.f32 $3.441791240e-02, v26;
	v35 =	vmul.f32 $6.074752660e-03, v30  }
0x150: {  	v24 =	vpop (erf);
	v32 =	vadd.f32 $3.313336670e-01, v32;
	v31 =	vmul.f32 v31, v27;
	v33 =	vsub.f32 $3.441791240e-02, v33  }
0x151: {  	v34 =	vadd.f32 $1.647818830e-01, v34;
	v26 =	vmul.f32 v26, v29;
	v36 =	vmul.f32 $6.074752660e-03, v24  }
0x152: {  	v35 =	vsub.f32 $3.441791240e-02, v35;
	v31 =	vadd.f32 $-9.231230610e-02, v31;
	v33 =	vmul.f32 v33, v28  }
0x153: {  	v26 =	vadd.f32 $-9.231230610e-02, v26;
	v34 =	vmul.f32 v34, v25;
	v36 =	vsub.f32 $3.441791240e-02, v36  }
0x154: {  	v35 =	vmul.f32 v35, v30;
	v31 =	vmul.f32 v31, v27;
	v33 =	vadd.f32 $-9.231230610e-02, v33  }
0x155: {  	v26 =	vmul.f32 v26, v29;
	v34 =	vadd.f32 $-2.391897290e-01, v34;
	v36 =	vmul.f32 v36, v24  }
0x156: {  	v35 =	vadd.f32 $-9.231230610e-02, v35;
	v31 =	vadd.f32 $1.647818830e-01, v31;
	v33 =	vmul.f32 v33, v28  }
0x157: {  	v26 =	vadd.f32 $1.647818830e-01, v26;
	v34 =	vmul.f32 v34, v25;
	v36 =	vadd.f32 $-9.231230610e-02, v36  }
0x158: {  	v35 =	vmul.f32 v35, v30;
	v31 =	vmul.f32 v31, v27;
	v33 =	vadd.f32 $1.647818830e-01, v33  }
0x159: {  	v26 =	vmul.f32 v26, v29;
	v34 =	vadd.f32 $3.313336670e-01, v34;
	v36 =	vmul.f32 v36, v24  }
0x15a: {  	v35 =	vadd.f32 $1.647818830e-01, v35;
	v31 =	vadd.f32 $-2.391897290e-01, v31;
	v33 =	vmul.f32 v33, v28  }
0x15b: {  	v26 =	vadd.f32 $-2.391897290e-01, v26;
	v34 =	vmul.f32 v34, v25;
	v36 =	vadd.f32 $1.647818830e-01, v36  }
0x15c: {  	v35 =	vmul.f32 v35, v30;
	v31 =	vmul.f32 v31, v27;
	v33 =	vadd.f32 $-2.391897290e-01, v33  }
0x15d: {  	v26 =	vmul.f32 v26, v29;
	v34 =	vadd.f32 $-4.998010990e-01, v34;
	v36 =	vmul.f32 v36, v24  }
0x15e: {  	v35 =	vadd.f32 $-2.391897290e-01, v35;
	v31 =	vadd.f32 $3.313336670e-01, v31;
	v33 =	vmul.f32 v33, v28  }
0x15f: {  	v26 =	vadd.f32 $3.313336670e-01, v26;
	v34 =	vmul.f32 v34, v25;
	v36 =	vadd.f32 $-2.391897290e-01, v36  }
0x160: {  	v35 =	vmul.f32 v35, v30;
	v31 =	vmul.f32 v31, v27;
	v33 =	vadd.f32 $3.313336670e-01, v33  }
0x161: {  	v26 =	vmul.f32 v26, v29;
	v34 =	vadd.f32 $9.999914760e-01, v34;
	v36 =	vmul.f32 v36, v24  }
0x162: {  	v23 =	vmul.f32 v23, v18;
	v35 =	vadd.f32 $3.313336670e-01, v35;
	v31 =	vadd.f32 $-4.998010990e-01, v31  }
0x163: {  	v37 =	vadd.f32 $-4.998010990e-01, v26;
	v25 =	vmul.f32 v34, v25;
	v26 =	vadd.f32 $3.313336670e-01, v36  }
0x164: {  	v59 =	vadd.f32 $1.647818830e-01, v23;
	v35 =	vmul.f32 v35, v30;
	v31 =	vmul.f32 v31, v27  }
0x165: {  	v33 =	vmul.f32 v33, v28;
	v23 =	vadd.f32 $9.099033340e-08, v25;
	v25 =	vmul.f32 v26, v24  }
0x166: {  	v60 =	vadd.f32 $-4.998010990e-01, v35;
	v26 =	vadd.f32 $9.999914760e-01, v31;
	v31 =	vmul.f32 v59, v18  }
0x167: {  	v33 =	vadd.f32 $-4.998010990e-01, v33;
	v62 =	vmul.f32 v37, v29;
	v25 =	vadd.f32 $-4.998010990e-01, v25  }
0x168: {  	v26 =	vmul.f32 v26, v27;
	v27 =	vadd.f32 $-2.391897290e-01, v31;
	v31 =	vmul.f32 v60, v30  }
0x169: {  	v61 =	vmul.f32 v19, v2;
	v32 =	vmul.f32 v32, v11;
	v34 =	vadd.f32 $9.999914760e-01, v62  }
0x16a: {  	v33 =	vmul.f32 v33, v28;
	v25 =	vmul.f32 v25, v24;
	v31 =	vadd.f32 $9.999914760e-01, v31  }
0x16b: {  	v17 =	vadd.f32 v61, v17;
	v29 =	vmul.f32 v34, v29;
	v27 =	vmul.f32 v27, v18  }
0x16c: {  	v26 =	vadd.f32 $9.099033340e-08, v26;
	v25 =	vadd.f32 $9.999914760e-01, v25;
	v30 =	vmul.f32 v31, v30  }
0x16d: {  	v31 =	vadd.f32 $9.999914760e-01, v33;
	v63 =	vadd.f32 $3.313336670e-01, v27;
	v27 =	vmax.f32 v21, $0.0e+00  }
0x16e: {  	v24 =	vmul.f32 v25, v24;
	v25 =	vadd.f32 $-4.998010990e-01, v32;
	v30 =	vadd.f32 $9.099033340e-08, v30  }
0x16f: {  	s29 =	simm.s32 $0x20C0;
	s26 =	simm.s32 $0x0;
	s28 =	simm.s32 $0x18C0;
	v21 =	vmul.f32 v31, v28;
	v28 =	vadd.f32 $9.099033340e-08, v29;
	v29 =	vmul.f32 v63, v18  }
.LBB2_8:
0x170: {  	v31 =	vld [tilespmem:s28+$0xFFFFFFC0];
	s26 =	sadd.s32 $0x8, s26;
	v27 =	vadd.f32 v30, v27;
	v22 =	vadd.f32 v26, v22;
	v14 =	vmax.f32 v14, $0.0e+00;
	s25 =	sadd.s32 $0x80, s25  }
0x171: {  	v26 =	vld [tilespmem:s25+$0x0];
	p0 =	slt.u32 s26, $0x70;
	v16 =	vadd.f32 v28, v16;
	v28 =	vadd.f32 $-4.998010990e-01, v29;
	v25 =	vmul.f32 v25, v11  }
0x172: {  	v21 =	vadd.f32 $9.099033340e-08, v21;
	v29 =	vld [tilespmem:s25+$0xFFFFFFC0];
	v3 =	vadd.f32 v27, v3;
	v8 =	vmul.f32 v8, v22  }
0x173: {  	v24 =	vadd.f32 $9.099033340e-08, v24;
	v9 =	vmul.f32 v9, v27;
	v30 =	vld [tilespmem:s25+$0xFFFFFFE0];
	v25 =	vadd.f32 $9.999914760e-01, v25  }
0x174: {  	v12 =	vmax.f32 v12, $0.0e+00;
	v14 =	vadd.f32 v21, v14;
	v21 =	vmul.f32 v28, v18;
	v27 =	vld [tilespmem:s29+$0x30]  }
0x175: {  	v1 =	vadd.f32 v9, v1;
	v9 =	vadd.f32 v24, v12;
	v28 =	vld [tilespmem:s25+$0xFFFFFFD0];
	v11 =	vmul.f32 v25, v11  }
0x176: {  	v2 =	vmax.f32 v2, $0.0e+00;
	v4 =	vmul.f32 v4, v14;
	v21 =	vadd.f32 $9.999914760e-01, v21;
	v12 =	vld [tilespmem:s29+$0x20]  }
0x177: {  	v5 =	vmax.f32 v5, $0.0e+00;
	v7 =	vmul.f32 v7, v16;
	v6 =	vmul.f32 v6, v9;
	v24 =	vld [tilespmem:s28+$0x30]  }
0x178: {  	v3 =	vadd.f32 v9, v3;
	v9 =	vmul.f32 v21, v18;
	v11 =	vadd.f32 $9.099033340e-08, v11;
	v25 =	vld [tilespmem:s25+$0xFFFFFFF0]  }
0x179: {  	v5 =	vadd.f32 v23, v5;
	v10 =	vadd.s32 v10, v29;
	v1 =	vadd.f32 v6, v1;
	v18 =	vld [tilespmem:s28+$0x20]  }
0x17a: {  	v3 =	vadd.f32 v22, v3;
	v11 =	vadd.f32 v11, v2;
	v6 =	vadd.s32 v28, v10;
	v10 =	vld [tilespmem:s29+$0x10]  }
0x17b: {  	v13 =	vmul.f32 v13, v5;
	v1 =	vadd.f32 v8, v1;
	v8 =	vadd.f32 $9.099033340e-08, v9;
	v21 =	vld [tilespmem:s29+$0xFFFFFFF0]  }
0x17c: {  	v3 =	vadd.f32 v14, v3;
	v14 =	vmul.f32 v19, v11;
	v9 =	vld [tilespmem:s28+$0x10];
	v2 =	vsub.f32 v27, v24  }
0x17d: {  	v6 =	vadd.s32 v30, v6;
	v1 =	vadd.f32 v4, v1;
	v22 =	vadd.f32 v8, v20;
	v19 =	vld [tilespmem:s29+$0x0]  }
0x17e: {  	v3 =	vadd.f32 v16, v3;
	v24 =	vadd.s32 v25, v6;
	v23 =	vld [tilespmem:s29+$0xFFFFFFD0];
	v6 =	vsub.f32 $0.0e+00, v2  }
0x17f: {  	v4 =	vcvt.s32.f32 v25;
	v20 =	vsub.f32 v12, v18;
	v12 =	vmul.f32 v15, v22;
	v16 =	vld [tilespmem:s28+$0x0]  }
0x180: {  	v1 =	vadd.f32 v7, v1;
	v3 =	vadd.f32 v5, v3;
	v15 =	vld [tilespmem:s29+$0xFFFFFFE0];
	v8 =	vmin.f32 v2, v6  }
0x181: {  	v6 =	vcvt.s32.f32 v28;
	v18 =	vld [tilespmem:s28+$0xFFFFFFF0];
	v5 =	vsub.f32 v10, v9;
	v7 =	vmul.f32 $1.442695020e+00, v8  }
0x182: {  	v1 =	vadd.f32 v13, v1;
	v9 =	vcvt.s32.f32 v29;
	v8 =	vcvt.s32.f32 v30;
	v10 =	vld [tilespmem:s29+$0xFFFFFFC0]  }
0x183: {  	v25 =	vsub.f32 $0.0e+00, v20;
	v3 =	vadd.f32 v22, v3;
	v13 =	vld [tilespmem:s28+$0xFFFFFFE0];
	(erf) = vpow2.f32 v7  }
0x184: {  	v24 =	vadd.s32 v26, v24;
	v1 =	vadd.f32 v12, v1;
	v27 =	vld [tilespmem:s28+$0xFFFFFFD0];
	v19 =	vsub.f32 v19, v16  }
0x185: {  	v3 =	vadd.f32 v11, v3;
	v12 =	vsub.f32 $0.0e+00, v5;
	v16 =	vmin.f32 v20, v25  }
0x186: {  	v7 =	vcvt.s32.f32 v26;
	v1 =	vadd.f32 v14, v1;
	v11 =	vmul.f32 $1.442695020e+00, v16  }
0x187: {  	v12 =	vmin.f32 v5, v12;
	v25 =	vsub.f32 $0.0e+00, v19;
	v16 =	vmax.f32 v19, $0.0e+00  }
0x188: {  	v14 =	vsub.f32 v21, v18;
	v22 =	vsub.f32 v15, v13;
	v13 =	vmul.f32 $1.442695020e+00, v12  }
0x189: {  	v21 =	vsub.f32 v10, v31;
	v10 =	vmin.f32 v19, v25;
	v12 =	vsub.f32 v23, v27  }
0x18a: {  	v18 =	vsub.f32 $0.0e+00, v14;
	v15 =	vsub.f32 $0.0e+00, v22;
	(erf) = vpow2.f32 v13  }
0x18b: {  	v13 =	vsub.f32 $0.0e+00, v21;
	v23 =	vsub.f32 $0.0e+00, v12;
	(erf) = vpow2.f32 v11  }
0x18c: {  	v10 =	vmul.f32 $1.442695020e+00, v10;
	v18 =	vmin.f32 v14, v18;
	v25 =	vmul.f32 v6, v12;
	v11 =	vpop (erf)  }
0x18d: {  	v26 =	vmul.f32 v9, v21;
	v15 =	vmin.f32 v22, v15;
	v27 =	vmul.f32 $6.074752660e-03, v11  }
0x18e: {  	v18 =	vmul.f32 $1.442695020e+00, v18;
	v13 =	vmin.f32 v21, v13;
	v15 =	vmul.f32 $1.442695020e+00, v15;
	v28 =	vld [tilespmem:s25+$0x10]  }
0x18f: {  	v23 =	vmin.f32 v12, v23;
	v27 =	vsub.f32 $3.441791240e-02, v27;
	(erf) = vpow2.f32 v10  }
0x190: {  	v10 =	vmul.f32 $1.442695020e+00, v13;
	v13 =	vadd.f32 v26, v17;
	(erf) = vpow2.f32 v15  }
0x191: {  	v23 =	vmul.f32 $1.442695020e+00, v23;
	v15 =	vmul.f32 v27, v11  }
0x192: {  	v26 =	vmul.f32 v8, v22;
	v25 =	vadd.f32 v25, v13;
	v27 =	vmul.f32 v4, v14;
	v29 =	vld [tilespmem:s25+$0x20]  }
0x193: {  	v13 =	vcvt.s32.f32 v28;
	v15 =	vadd.f32 $-9.231230610e-02, v15;
	(erf) = vpow2.f32 v18;
	v17 =	vpop (erf)  }
0x194: {  	v19 =	vmul.f32 v7, v19;
	v25 =	vadd.f32 v26, v25;
	v26 =	vmul.f32 $6.074752660e-03, v17;
	v18 =	vpop (erf)  }
0x195: {  	v24 =	vadd.s32 v28, v24;
	v28 =	vmul.f32 $6.074752660e-03, v18;
	v30 =	vld [tilespmem:s25+$0x30];
	(erf) = vpow2.f32 v10  }
0x196: {  	v10 =	vadd.f32 v27, v25;
	v25 =	vmul.f32 v13, v5;
	v27 =	vmul.f32 v15, v11  }
0x197: {  	v26 =	vsub.f32 $3.441791240e-02, v26;
	v15 =	vcvt.s32.f32 v29;
	(erf) = vpow2.f32 v23  }
0x198: {  	v23 =	vsub.f32 $3.441791240e-02, v28;
	v28 =	vadd.s32 v29, v24;
	v27 =	vadd.f32 $1.647818830e-01, v27;
	v24 =	vpop (erf)  }
0x199: {  	v19 =	vadd.f32 v19, v10;
	v26 =	vmul.f32 v26, v17;
	v29 =	vmul.f32 v15, v20;
	v31 =	vpop (erf)  }
0x19a: {  	v27 =	vmul.f32 v27, v11;
	v32 =	vmul.f32 $6.074752660e-03, v31;
	v10 =	vadd.s32 v30, v28  }
0x19b: {  	v26 =	vadd.f32 $-9.231230610e-02, v26;
	v28 =	vadd.f32 v25, v19;
	v19 =	vmul.f32 v23, v18  }
0x19c: {  	v23 =	vmul.f32 $6.074752660e-03, v24;
	v25 =	vpop (erf)  }
0x19d: {  	v32 =	vsub.f32 $3.441791240e-02, v32;
	v26 =	vmul.f32 v26, v17;
	v33 =	vmul.f32 $6.074752660e-03, v25  }
0x19e: {  	v23 =	vsub.f32 $3.441791240e-02, v23;
	v34 =	vadd.f32 $-9.231230610e-02, v19;
	v19 =	vcvt.s32.f32 v30;
	v30 =	vpop (erf)  }
0x19f: {  	v32 =	vmul.f32 v32, v31;
	v26 =	vadd.f32 $1.647818830e-01, v26;
	v33 =	vsub.f32 $3.441791240e-02, v33  }
0x1a0: {  	v28 =	vadd.f32 v29, v28;
	v23 =	vmul.f32 v23, v24;
	v35 =	vmul.f32 $6.074752660e-03, v30;
	v29 =	vpop (erf)  }
0x1a1: {  	v32 =	vadd.f32 $-9.231230610e-02, v32;
	v36 =	vmul.f32 $6.074752660e-03, v29;
	v33 =	vmul.f32 v33, v25  }
0x1a2: {  	v23 =	vadd.f32 $-9.231230610e-02, v23;
	v26 =	vmul.f32 v26, v17;
	v35 =	vsub.f32 $3.441791240e-02, v35  }
0x1a3: {  	v32 =	vmul.f32 v32, v31;
	v36 =	vsub.f32 $3.441791240e-02, v36;
	v33 =	vadd.f32 $-9.231230610e-02, v33  }
0x1a4: {  	v23 =	vmul.f32 v23, v24;
	v26 =	vadd.f32 $-2.391897290e-01, v26;
	v35 =	vmul.f32 v35, v30  }
0x1a5: {  	v32 =	vadd.f32 $1.647818830e-01, v32;
	v36 =	vmul.f32 v36, v29;
	v33 =	vmul.f32 v33, v25  }
0x1a6: {  	v23 =	vadd.f32 $1.647818830e-01, v23;
	v26 =	vmul.f32 v26, v17;
	v35 =	vadd.f32 $-9.231230610e-02, v35  }
0x1a7: {  	v32 =	vmul.f32 v32, v31;
	v36 =	vadd.f32 $-9.231230610e-02, v36;
	v33 =	vadd.f32 $1.647818830e-01, v33  }
0x1a8: {  	v23 =	vmul.f32 v23, v24;
	v26 =	vadd.f32 $3.313336670e-01, v26;
	v35 =	vmul.f32 v35, v30  }
0x1a9: {  	v32 =	vadd.f32 $-2.391897290e-01, v32;
	v36 =	vmul.f32 v36, v29;
	v33 =	vmul.f32 v33, v25  }
0x1aa: {  	v23 =	vadd.f32 $-2.391897290e-01, v23;
	v26 =	vmul.f32 v26, v17;
	v35 =	vadd.f32 $1.647818830e-01, v35  }
0x1ab: {  	v32 =	vmul.f32 v32, v31;
	v36 =	vadd.f32 $1.647818830e-01, v36;
	v33 =	vadd.f32 $-2.391897290e-01, v33  }
0x1ac: {  	v23 =	vmul.f32 v23, v24;
	v26 =	vadd.f32 $-4.998010990e-01, v26;
	v35 =	vmul.f32 v35, v30  }
0x1ad: {  	v32 =	vadd.f32 $3.313336670e-01, v32;
	v36 =	vmul.f32 v36, v29;
	v33 =	vmul.f32 v33, v25  }
0x1ae: {  	v23 =	vadd.f32 $3.313336670e-01, v23;
	v26 =	vmul.f32 v26, v17;
	v35 =	vadd.f32 $-2.391897290e-01, v35  }
0x1af: {  	v32 =	vmul.f32 v32, v31;
	v36 =	vadd.f32 $-2.391897290e-01, v36;
	v33 =	vadd.f32 $3.313336670e-01, v33  }
0x1b0: {  	v23 =	vmul.f32 v23, v24;
	v26 =	vadd.f32 $9.999914760e-01, v26;
	v35 =	vmul.f32 v35, v30  }
0x1b1: {  	v34 =	vmul.f32 v34, v18;
	v32 =	vadd.f32 $-4.998010990e-01, v32;
	v36 =	vmul.f32 v36, v29  }
0x1b2: {  	v37 =	vadd.f32 $-4.998010990e-01, v23;
	v17 =	vmul.f32 v26, v17;
	v35 =	vadd.f32 $3.313336670e-01, v35  }
0x1b3: {  	v34 =	vadd.f32 $1.647818830e-01, v34;
	v32 =	vmul.f32 v32, v31;
	v26 =	vadd.f32 $3.313336670e-01, v36  }
0x1b4: {  	v33 =	vmul.f32 v33, v25;
	v23 =	vadd.f32 $9.099033340e-08, v17;
	v35 =	vmul.f32 v35, v30  }
0x1b5: {  	v17 =	vmul.f32 v26, v29;
	v26 =	vadd.f32 $9.999914760e-01, v32;
	v32 =	vmul.f32 v34, v18  }
0x1b6: {  	v27 =	vadd.f32 $-2.391897290e-01, v27;
	v34 =	vadd.f32 $-4.998010990e-01, v35;
	v35 =	vmul.f32 v19, v2  }
0x1b7: {  	v17 =	vadd.f32 $-4.998010990e-01, v17;
	v26 =	vmul.f32 v26, v31;
	v31 =	vadd.f32 $-2.391897290e-01, v32  }
0x1b8: {  	v27 =	vmul.f32 v27, v11;
	v33 =	vadd.f32 $-4.998010990e-01, v33;
	v32 =	vmul.f32 v34, v30  }
0x1b9: {  	v34 =	vmul.f32 v37, v24;
	v26 =	vadd.f32 $9.099033340e-08, v26;
	v31 =	vmul.f32 v31, v18  }
0x1ba: {  	v32 =	vadd.f32 $9.999914760e-01, v32;
	v36 =	vmul.f32 v17, v29;
	v17 =	vadd.f32 v35, v28  }
0x1bb: {  	v22 =	vmax.f32 v22, $0.0e+00;
	v28 =	vmul.f32 v33, v25;
	v33 =	vadd.f32 $9.999914760e-01, v34  }
.Ltmp6:
0x1bc: {  	v20 =	vmax.f32 v20, $0.0e+00;
	v35 =	vadd.f32 $3.313336670e-01, v27;
	v34 =	vadd.f32 $9.999914760e-01, v36;
	(pc) =	sbr.rel @p0 .LBB2_8-.Ltmp6, $4  }
0x1bd: {  	v30 =	vmul.f32 v32, v30;
	v28 =	vadd.f32 $9.999914760e-01, v28;
	v31 =	vadd.f32 $3.313336670e-01, v31  }
0x1be: {  	v27 =	vmax.f32 v21, $0.0e+00;
	v32 =	vmul.f32 v33, v24;
	v33 =	vmul.f32 v35, v11  }
0x1bf: {  	v30 =	vadd.f32 $9.099033340e-08, v30;
	v24 =	vmul.f32 v34, v29;
	v21 =	vmul.f32 v28, v25  }
0x1c0: {  	s29 =	sadd.s32 $0x80, s29;
	s28 =	sadd.s32 $0x80, s28;
	v28 =	vadd.f32 $9.099033340e-08, v32;
	v29 =	vmul.f32 v31, v18;
	v25 =	vadd.f32 $-4.998010990e-01, v33  }
0x1c1: {  	v27 =	vadd.f32 v30, v27;
	v24 =	vadd.f32 $9.099033340e-08, v24  }
0x1c2: {  	v22 =	vadd.f32 v26, v22;
	v12 =	vmax.f32 v12, $0.0e+00;
	v21 =	vadd.f32 $9.099033340e-08, v21  }
0x1c3: {  	v56 =	vadd.f32 $-4.998010990e-01, v29;
	v9 =	vmul.f32 v9, v27;
	v12 =	vadd.f32 v24, v12  }
0x1c4: {  	v14 =	vmax.f32 v14, $0.0e+00;
	v16 =	vadd.f32 v28, v16;
	v3 =	vadd.f32 v27, v3  }
0x1c5: {  	v57 =	vmul.f32 v56, v18;
	v1 =	vadd.f32 v9, v1;
	v6 =	vmul.f32 v6, v12  }
0x1c6: {  	v14 =	vadd.f32 v21, v14;
	v9 =	vmul.f32 v25, v11;
	v3 =	vadd.f32 v12, v3  }
0x1c7: {  	v8 =	vmul.f32 v8, v22;
	v58 =	vadd.f32 $9.999914760e-01, v57;
	v1 =	vadd.f32 v6, v1  }
0x1c8: {  	v5 =	vmax.f32 v5, $0.0e+00;
	v59 =	vadd.f32 $9.999914760e-01, v9;
	v3 =	vadd.f32 v22, v3  }
0x1c9: {  	v4 =	vmul.f32 v4, v14;
	v9 =	vmul.f32 v58, v18;
	v1 =	vadd.f32 v8, v1  }
0x1ca: {  	v5 =	vadd.f32 v23, v5;
	v6 =	vmul.f32 v59, v11;
	v3 =	vadd.f32 v14, v3  }
0x1cb: {  	v7 =	vmul.f32 v7, v16;
	v8 =	vadd.f32 $9.099033340e-08, v9;
	v1 =	vadd.f32 v4, v1  }
0x1cc: {  	v2 =	vmax.f32 v2, $0.0e+00;
	v60 =	vadd.f32 $9.099033340e-08, v6;
	v3 =	vadd.f32 v16, v3  }
0x1cd: {  	v61 =	vadd.f32 v8, v20;
	v8 =	vmul.f32 v13, v5;
	v1 =	vadd.f32 v7, v1  }
0x1ce: {  	v2 =	vadd.f32 v60, v2  }
0x1cf: {  	v3 =	vadd.f32 v5, v3;
	v62 =	vmul.f32 v15, v61;
	v1 =	vadd.f32 v8, v1;
	_ =	sdelay $0x1  }
0x1d0: {  	v63 =	vmul.f32 v19, v2;
	v3 =	vadd.f32 v61, v3;
	v4 =	vadd.f32 v62, v1;
	_ =	sdelay $0x1  }
0x1d1: {  	s25 =	simm.s32 $0x0;
	v1 =	vadd.f32 v2, v3;
	v2 =	vadd.f32 v63, v4  }
.LBB2_10:
0x1d2: {  	s26 =	sshra.s32 s25, $0x2  }
0x1d3: {  	v3 =	vld [tilespmem:s26+$0x1F80]  }
0x1d4: {  	v4 =	vld [tilespmem:s26+$0x2780];
	_ =	sdelay $0x4  }
0x1d5: {  	v3 =	vsub.f32 v4, v3;
	_ =	sdelay $0x1  }
0x1d6: {  	v4 =	vsub.f32 $0.0e+00, v3;
	_ =	sdelay $0x1  }
0x1d7: {  	v4 =	vmin.f32 v3, v4  }
0x1d8: {  	v4 =	vmul.f32 $1.442695020e+00, v4;
	_ =	sdelay $0x1  }
0x1d9: {  	(erf) = vpow2.f32 v4;
	_ =	sdelay $0x8  }
0x1da: {  	v4 =	vpop (erf)  }
0x1db: {  	v5 =	vmul.f32 $-6.074752660e-03, v4;
	_ =	sdelay $0x1  }
0x1dc: {  	v5 =	vadd.f32 $3.441791240e-02, v5;
	_ =	sdelay $0x1  }
0x1dd: {  	v5 =	vmul.f32 v5, v4;
	_ =	sdelay $0x1  }
0x1de: {  	v5 =	vadd.f32 $-9.231230610e-02, v5;
	_ =	sdelay $0x1  }
0x1df: {  	v5 =	vmul.f32 v5, v4;
	_ =	sdelay $0x1  }
0x1e0: {  	v5 =	vadd.f32 $1.647818830e-01, v5;
	_ =	sdelay $0x1  }
0x1e1: {  	v5 =	vmul.f32 v5, v4;
	_ =	sdelay $0x1  }
0x1e2: {  	v5 =	vadd.f32 $-2.391897290e-01, v5;
	_ =	sdelay $0x1  }
0x1e3: {  	v5 =	vmul.f32 v5, v4;
	_ =	sdelay $0x1  }
0x1e4: {  	v5 =	vadd.f32 $3.313336670e-01, v5;
	_ =	sdelay $0x1  }
0x1e5: {  	v5 =	vmul.f32 v5, v4;
	_ =	sdelay $0x1  }
0x1e6: {  	v5 =	vadd.f32 $-4.998010990e-01, v5;
	_ =	sdelay $0x1  }
0x1e7: {  	v5 =	vmul.f32 v5, v4;
	_ =	sdelay $0x1  }
0x1e8: {  	v6 =	vld [tilespmem:s26+$0x2F80];
	v5 =	vadd.f32 $9.999914760e-01, v5;
	_ =	sdelay $0x1  }
0x1e9: {  	v4 =	vmul.f32 v5, v4;
	_ =	sdelay $0x1  }
0x1ea: {  	v4 =	vadd.f32 $9.099033340e-08, v4  }
0x1eb: {  	p0 =	sne.s32 s25, $0x100;
	v7 =	vcvt.s32.f32 v6;
	v63 =	vmax.f32 v3, $0.0e+00  }
.Ltmp7:
0x1ec: {  	v4 =	vadd.f32 v4, v63;
	(pc) =	sbr.rel @p0 .LBB2_10-.Ltmp7, $4  }
0x1ed: {  	v3 =	vmul.f32 v7, v3  }
0x1ee: {  	v5 =	vmul.f32 v7, v4  }
0x1ef: {  	v17 =	vadd.f32 v3, v17  }
0x1f0: {  	s25 =	sadd.s32 $0x40, s25;
	v10 =	vadd.s32 v10, v6;
	v1 =	vadd.f32 v4, v1;
	v2 =	vadd.f32 v5, v2  }
0x1f1: {  	s22 =	sadd.s32 $0x1, s22  }
0x1f2: {  	p0 =	sne.s32 s22, $0x5  }
.Ltmp8:
0x1f3: {  	_ = 	snop;
	(pc) =	sbr.rel @p0 .LBB2_3-.Ltmp8, $1  }
0x1f4: {  	_ =	sdelay $0x3  }
0x1f5: {  	(xrf0) =	vadd.scan.msk.s32 $0xffff, v10;
	_ =	sdelay $0x5  }
0x1f6: {  	(xrf2) =	vadd.scan.msk.f32 $0xffff, v2;
	v2, _, _ =	vpop (xrf0)  }
0x1f7: {  	(v2sf) =	vpush v2, $0xF;
	_ =	sdelay $0x2  }
0x1f8: {  	(xrf2) =	vadd.scan.msk.f32 $0xffff, v17;
	_ =	sdelay $0x8  }
0x1f9: {  	v2, _, _ =	vpop (xrf2)  }
0x1fa: {  	(v2sf) =	vpush v2, $0xF;
	v2, _, _ =	vpop (xrf2)  }
0x1fb: {  	(v2sf) =	vpush v2, $0xF  }
0x1fc: {  	s22 =	spop (v2sf)  }
0x1fd: {  	s22 =	scvt.s32.f32 s22;
	_ =	sdelay $0x1  }
0x1fe: {  	s23 =	scvt.f32.s32 s22;
	_ =	sdelay $0x1  }
0x1ff: {  	p0 =	sgt.s32 s23, $0x1  }
0x200: {  	s24 =	ssub.s32 $0x4E20, s23;
	s23 =	simm.s32 @!p0 $0x1  }
0x201: {  	s25 =	smul.u32 $0x3, s23;
	_ =	sdelay $0x1  }
0x202: {  	p0 =	sge.s32 s25, s24  }
.Ltmp9:
0x203: {  	_ = 	snop;
	(pc) =	sbr.rel @p0 .LBB2_24-.Ltmp9, $3  }
0x204: {  	_ =	sdelay $0x1  }
0x205: {  	s23 =	spop (v2sf)  }
0x206: {  	s24 =	spop (v2sf)  }
0x207: {  	s25 =	scvt.s32.f32 s25  }
0x208: {  	s26 =	simm.s32 $0x0;
	s28 =	simm.s32 $0x3000;
	s29 =	simm.s32 $0x0  }
.LBB2_14:
0x209: {  	s30 =	smul.u32 $0x7D0, s29;
	_ =	sdelay $0x1  }
0x20a: {  	s30 =	sadd.s32 s21, s30  }
0x20b: {  	s30 =	sshrl.u32 s30, $0x3  }
0x20c: {  	s31 =	sadd.s32 s1, s30  }
0x20d: {  	[tilespmem:s26], [sflag:$0x3] =	stream.linear.gather [hbm4b:s31+s26], $0x7D0, $0x38;
	[tilespmem:$0x7F00] =	vst v63  }
0x20e: {  	_ =	swait.ge [sflag:s16], $0x7D0  }
0x20f: {  	[sflag:s16] =	ssyncset.done $0x0  }
0x210: {  	s31 =	sadd.s32 s4, s30;
	[sflag:s16] =	ssyncadd.s32 $0xFFFFF830  }
0x211: {  	[tilespmem:s9], [sflag:$0x3] =	stream.linear.gather [hbm4b:s31+s26], $0x7D0, $0x38;
	[tilespmem:$0x7F00] =	vst v63  }
0x212: {  	_ =	swait.ge [sflag:s16], $0x7D0  }
0x213: {  	[sflag:s16] =	ssyncset.done $0x0  }
0x214: {  	s30 =	sadd.s32 s5, s30;
	[sflag:s16] =	ssyncadd.s32 $0xFFFFF830  }
0x215: {  	[tilespmem:s10], [sflag:$0x3] =	stream.linear.gather [hbm4b:s30+s26], $0x7D0, $0x38;
	[tilespmem:$0x7F00] =	vst v63  }
0x216: {  	_ =	swait.ge [sflag:s16], $0x7D0  }
0x217: {  	[sflag:s16] =	ssyncset.done $0x0  }
0x218: {  	s30 =	simm.s32 $0x0;
	[sflag:s16] =	ssyncadd.s32 $0xFFFFF830  }
0x219: {  	v1 =	vmov s28;
	s31 =	simm.s32 $0x40;
	v2 =	vld [tilespmem:s30+$0x800]  }
.LBB2_15:
0x21a: {  	p0 =	sne.s32 s31, $0x1F00;
	v3 =	vld [tilespmem:s30+$0x0];
	_ =	sdelay $0x4  }
0x21b: {  	v2 =	vsub.f32 v2, v3;
	_ =	sdelay $0x1  }
0x21c: {  	v3 =	vsub.f32 $0.0e+00, v2;
	_ =	sdelay $0x1  }
0x21d: {  	v3 =	vmin.f32 v2, v3  }
0x21e: {  	v3 =	vmul.f32 $1.442695020e+00, v3;
	_ =	sdelay $0x1  }
0x21f: {  	(erf) = vpow2.f32 v3;
	_ =	sdelay $0x8  }
0x220: {  	v3 =	vpop (erf)  }
0x221: {  	v4 =	vmul.f32 $-6.074752660e-03, v3;
	_ =	sdelay $0x1  }
0x222: {  	v4 =	vadd.f32 $3.441791240e-02, v4;
	_ =	sdelay $0x1  }
0x223: {  	v4 =	vmul.f32 v4, v3;
	_ =	sdelay $0x1  }
0x224: {  	v4 =	vadd.f32 $-9.231230610e-02, v4;
	_ =	sdelay $0x1  }
0x225: {  	v4 =	vmul.f32 v4, v3;
	_ =	sdelay $0x1  }
0x226: {  	v4 =	vadd.f32 $1.647818830e-01, v4;
	_ =	sdelay $0x1  }
0x227: {  	v4 =	vmul.f32 v4, v3;
	_ =	sdelay $0x1  }
0x228: {  	v4 =	vadd.f32 $-2.391897290e-01, v4;
	_ =	sdelay $0x1  }
0x229: {  	v4 =	vmul.f32 v4, v3;
	_ =	sdelay $0x1  }
0x22a: {  	v4 =	vadd.f32 $3.313336670e-01, v4;
	_ =	sdelay $0x1  }
0x22b: {  	v4 =	vmul.f32 v4, v3;
	_ =	sdelay $0x1  }
0x22c: {  	v4 =	vadd.f32 $-4.998010990e-01, v4;
	_ =	sdelay $0x1  }
0x22d: {  	v4 =	vmul.f32 v4, v3;
	_ =	sdelay $0x1  }
0x22e: {  	v4 =	vadd.f32 $9.999914760e-01, v4;
	_ =	sdelay $0x1  }
0x22f: {  	v5 =	vld [tilespmem:s30+$0x1000];
	v3 =	vmul.f32 v4, v3;
	_ =	sdelay $0x1  }
0x230: {  	v3 =	vadd.f32 $9.099033340e-08, v3  }
0x231: {  	v2 =	vmax.f32 v2, $0.0e+00  }
.Ltmp10:
0x232: {  	v2 =	vadd.f32 v3, v2;
	(pc) =	sbr.rel @p0 .LBB2_15-.Ltmp10, $4  }
0x233: {  	vm3 =	vgt.s32 v5, $0x0  }
0x234: {  	v2 =	vsel vm3, $0xBF800000, v2  }
0x235: {  	[tilespmem:v1+s30+$0x0 ss:$0x1] =	vst.idx.msk $0xffff, v2;
	s30 =	sshra.s32 s31, $0x2  }
0x236: {  	s31 =	sadd.s32 $0x40, s31;
	v2 =	vld [tilespmem:s30+$0x800]  }
0x237: {  	v3 =	vld [tilespmem:s30+$0x0];
	_ =	sdelay $0x4  }
0x238: {  	v2 =	vsub.f32 v2, v3;
	_ =	sdelay $0x1  }
0x239: {  	v3 =	vsub.f32 $0.0e+00, v2;
	_ =	sdelay $0x1  }
0x23a: {  	v3 =	vmin.f32 v2, v3  }
0x23b: {  	v3 =	vmul.f32 $1.442695020e+00, v3;
	_ =	sdelay $0x1  }
0x23c: {  	(erf) = vpow2.f32 v3;
	_ =	sdelay $0x8  }
0x23d: {  	v3 =	vpop (erf)  }
0x23e: {  	v4 =	vmul.f32 $-6.074752660e-03, v3;
	_ =	sdelay $0x1  }
0x23f: {  	v4 =	vadd.f32 $3.441791240e-02, v4;
	_ =	sdelay $0x1  }
0x240: {  	v4 =	vmul.f32 v4, v3;
	_ =	sdelay $0x1  }
0x241: {  	v4 =	vadd.f32 $-9.231230610e-02, v4;
	_ =	sdelay $0x1  }
0x242: {  	v4 =	vmul.f32 v4, v3;
	_ =	sdelay $0x1  }
0x243: {  	v4 =	vadd.f32 $1.647818830e-01, v4;
	_ =	sdelay $0x1  }
0x244: {  	v4 =	vmul.f32 v4, v3;
	_ =	sdelay $0x1  }
0x245: {  	v4 =	vadd.f32 $-2.391897290e-01, v4;
	_ =	sdelay $0x1  }
0x246: {  	v4 =	vmul.f32 v4, v3;
	_ =	sdelay $0x1  }
0x247: {  	v4 =	vadd.f32 $3.313336670e-01, v4;
	_ =	sdelay $0x1  }
0x248: {  	v4 =	vmul.f32 v4, v3;
	_ =	sdelay $0x1  }
0x249: {  	v4 =	vadd.f32 $-4.998010990e-01, v4;
	_ =	sdelay $0x1  }
0x24a: {  	v4 =	vmul.f32 v4, v3;
	_ =	sdelay $0x1  }
0x24b: {  	v4 =	vadd.f32 $9.999914760e-01, v4;
	_ =	sdelay $0x1  }
0x24c: {  	v5 =	vld [tilespmem:s30+$0x1000];
	v3 =	vmul.f32 v4, v3  }
0x24d: {  	s29 =	sadd.s32 $0x1, s29  }
0x24e: {  	p0 =	sne.s32 s29, $0xA;
	v3 =	vadd.f32 $9.099033340e-08, v3  }
.Ltmp11:
0x24f: {  	v2 =	vmax.f32 v2, $0.0e+00;
	(pc) =	sbr.rel @p0 .LBB2_14-.Ltmp11, $4  }
0x250: {  	v2 =	vadd.f32 v3, v2  }
0x251: {  	vm3 =	vgt.s32 v5, $0x0  }
0x252: {  	v2 =	vsel vm3, $0xBF800000, v2  }
0x253: {  	s28 =	sadd.s32 $0x7D0, s28;
	[tilespmem:v1+s30+$0x0 ss:$0x1] =	vst.idx.msk $0xffff, v2  }
0x254: {  	s21 =	simm.s32 $0x0;
	s28 =	simm.s32 $0x7F800000;
	s26 =	simm.s32 $0x0  }
.LBB2_18:
0x255: {  	s29 =	ssub.s32 s28, s21;
	p0 =	sne.s32 s28, s21;
	s30 =	simm.s32 $0x1  }
0x256: {  	s31 =	sshra.s32 s29, $0x1F;
	s30 =	simm.s32 @!p0 $0x0  }
0x257: {  	s30 =	sor.u32 s30, s31;
	s31 =	sand.u32 $0x1, s29  }
0x258: {  	s0 =	sshrl.u32 s29, $0x1F;
	p6 =	sne.s32 s30, $0x1;
	p1 =	seq.s32 s31, $0x1  }
0x259: {  	s0 =	sadd.s32 s0, s29;
	p0 =	por !p6, !p1  }
0x25a: {  	s29 =	simm.s32 $0x1;
	s0 =	sshra.s32 s0, $0x1;
	p0 =	por !p0, !p0  }
0x25b: {  	s0 =	sadd.s32 s21, s0;
	s29 =	simm.s32 @!p0 $0x0  }
0x25c: {  	s31 =	simm.s32 $0x0;
	s29 =	ssub.s32 s0, s29  }
0x25d: {  	v3 =	vld [tilespmem:s31+$0x3000];
	v1 =	vmov s29  }
0x25e: {  	s30 =	simm.s32 $0x40;
	v2 =	vbroadcast v1, $0x0;
	v1 =	vimm.f32 $0.0e+00  }
.LBB2_19:
0x25f: {  	p0 =	sne.s32 s30, $0x13840  }
.Ltmp12:
0x260: {  	_ = 	snop;
	(pc) =	sbr.rel @p0 .LBB2_19-.Ltmp12, $4  }
0x261: {  	_ = 	snop  }
0x262: {  	s0 =	sshra.s32 s30, $0x2;
	s30 =	sadd.s32 $0x40, s30;
	vm3 =	vge.f32 v3, v2  }
0x263: {  	v3 =	vld [tilespmem:s0+$0x3000];
	v4 =	vsel vm3, $0x3F800000, v0  }
0x264: {  	v1 =	vadd.f32 v4, v1  }
0x265: {  	_ =	sdelay $0x2  }
0x266: {  	vm3 =	vge.f32 v3, v2  }
0x267: {  	v2 =	vsel vm3, $0x3F800000, v0  }
0x268: {  	v1 =	vadd.f32 v2, v1;
	_ =	sdelay $0x1  }
0x269: {  	(xrf2) =	vadd.scan.msk.f32 $0xffff, v1;
	_ =	sdelay $0x9  }
0x26a: {  	v1, _, _ =	vpop (xrf2)  }
0x26b: {  	(v2sf) =	vpush v1, $0xF;
	_ =	sdelay $0xe  }
0x26c: {  	s0 =	spop (v2sf)  }
0x26d: {  	p0 =	sge.f32 s0, s25  }
0x26e: {  	s26 =	sadd.s32 $0x1, s26  }
0x26f: {  	s21 =	smov.u32 @p0 s29;
	s29 =	smov.u32 @p0 s28;
	p0 =	sne.s32 s26, $0x1F  }
.Ltmp13:
0x270: {  	_ = 	snop;
	(pc) =	sbr.rel @p0 .LBB2_18-.Ltmp13, $2  }
0x271: {  	_ =	sdelay $0x2  }
0x272: {  	s28 =	smov.u32 s29  }
0x273: {  	s0 =	simm.s32 $0x0  }
0x274: {  	v1 =	vmov s21;
	v3 =	vld [tilespmem:s0+$0x3000]  }
0x275: {  	v4 =	vimm.f32 $0.0e+00;
	s21 =	simm.s32 $0x40;
	v2 =	vimm.f32 $0.0e+00;
	v5 =	vbroadcast v1, $0x0  }
.LBB2_22:
0x276: {  	p0 =	sne.s32 s21, $0x13840  }
.Ltmp14:
0x277: {  	_ = 	snop;
	(pc) =	sbr.rel @p0 .LBB2_22-.Ltmp14, $4  }
0x278: {  	_ = 	snop  }
0x279: {  	s0 =	sshra.s32 s21, $0x2;
	s21 =	sadd.s32 $0x40, s21;
	vm3 =	vgt.f32 v3, v5  }
0x27a: {  	v6 =	vsel vm3, $0x3F800000, v0;
	v7 =	vnsel vm3, $0x0, v3;
	v3 =	vld [tilespmem:s0+$0x3000]  }
0x27b: {  	v4 =	vadd.f32 v6, v4;
	v2 =	vadd.f32 v7, v2  }
0x27c: {  	_ =	sdelay $0x2  }
0x27d: {  	vm3 =	vgt.f32 v3, v5  }
0x27e: {  	v5 =	vsel vm3, $0x3F800000, v0  }
0x27f: {  	v4 =	vadd.f32 v5, v4;
	_ =	sdelay $0x1  }
0x280: {  	(xrf2) =	vadd.scan.msk.f32 $0xffff, v4;
	_ =	sdelay $0x9  }
0x281: {  	v4, _, _ =	vpop (xrf2)  }
0x282: {  	(v2sf) =	vpush v4, $0xF;
	_ =	sdelay $0xe  }
0x283: {  	s0 =	spop (v2sf)  }
0x284: {  	s0 =	ssub.f32 s25, s0  }
0x285: {  	v3 =	vnsel vm3, $0x0, v3  }
0x286: {  	v2 =	vadd.f32 v3, v2;
	v1 =	vmul.f32 s0, v1  }
0x287: {  	vm3 =	vmmov $0x1  }
0x288: {  	(xrf2) =	vadd.scan.msk.f32 $0xffff, v2;
	v1 =	vnsel vm3, $0x0, v1  }
0x289: {  	(xrf2) =	vadd.scan.msk.f32 $0xffff, v1;
	_ =	sdelay $0x8  }
0x28a: {  	v1, _, _ =	vpop (xrf2)  }
0x28b: {  	(v2sf) =	vpush v1, $0xF;
	v1, _, _ =	vpop (xrf2)  }
0x28c: {  	(v2sf) =	vpush v1, $0xF;
	_ =	sdelay $0xb  }
.Ltmp15:
0x28d: {  	_ = 	snop;
	(pc) =	sbr.rel .LBB2_25-.Ltmp15, $4  }
0x28e: {  	_ = 	snop  }
0x28f: {  	s31 =	spop (v2sf)  }
0x290: {  	s21 =	spop (v2sf)  }
0x291: {  	s21 =	sadd.f32 s21, s31  }
.LBB2_27:
0x292: {  	_ =	sfence.sel $0x180000  }
0x293: {  	[bflag:$0x0] =	sbarrier.arrive $0xFFFF  }
0x294: {  	_ =	strace $0x90000047  }
0x295: {  	[bflag:$0x2] =	sbarrier.arrive $0xFFFF  }
0x296: {  	p0 =	sne.s32 s3, $0x0;
	s0 =	rddreg [dreg:$0x1]  }
0x297: {  	s0 =	sadd.s32 @!p0 $0x100000, s0  }
0x298: {  	[sflag:s0] =	ssyncadd.tile.s32 @!p0 $0x1;
	_ =	shalt  }
.Lfunc_end2:
_tile_overlayer_lowered:
.L_overlay_start_2:
0x299: {  	(tag) =	ssettag $0x2  }
0x29a: {  	s0 =	rddreg [dreg:$0x0];
	s2 =	stileid.u32  }
0x29b: {  	s1 =	rddreg [dreg:$0x1];
	p0 =	sne.s32 s2, $0x0  }
0x29c: {  	s3 =	rddreg [dreg:$0x2];
	[bflag:$0x3] =	sbarrier.arrive $0xFFFF;
	s2 =	simm.s32 @!p0 $0x1C03  }
0x29d: {  	[timem:s3], [sflag:s2] =	dma.local @!p0 [hbm:s0], s1  }
0x29e: {  	s0 =	simm.s32 @!p0 $0x3  }
0x29f: {  	_ =	swait.ge @!p0 [sflag:s0], s1  }
0x2a0: {  	s1 =	ssub.s32 @!p0 $0x0, s1;
	[sflag:s0] =	ssyncset.done @!p0 $0x0  }
0x2a1: {  	[sflag:s0] =	ssyncadd.s32 @!p0 s1  }
0x2a2: {  	[bflag:$0x3] =	sbarrier.arrive $0xFFFF  }
0x2a3: {  	_ =	shalt  }

</sc_bundles>
